<compile_context>
chip_gen: v7x
topology: tpu7x:2x2x1
jax: 0.10.2.dev20260603
libtpu: 0.0.44.dev20260713+nightly
codegen_flags: <defaults>
</compile_context>

<pallas_src>
import functools

import jax
import jax.numpy as jnp
from jax import lax
from jax.experimental import pallas as pl
from jax.experimental.pallas import tpu as pltpu
from jax.experimental.pallas import tpu_sc as plsc

_N = 1600000
_NC = 2
_NS = 16
_NW = _NC * _NS
_PER_W = _N // _NW
_C = 10000
_NCHUNK = _PER_W // _C


def _sc_body(p_hbm, a_hbm, b_hbm, o_hbm, p_v, a_v, b_v, o_v, in_sem, out_sem):
    wid = lax.axis_index("s") * _NC + lax.axis_index("c")
    wbase = wid * _PER_W

    def in_copies(g, slot):
        hsl = pl.ds(wbase + g * _C, _C)
        vsl = pl.ds(slot * _C, _C)
        return [
            pltpu.make_async_copy(p_hbm.at[hsl], p_v.at[vsl], in_sem.at[slot]),
            pltpu.make_async_copy(a_hbm.at[hsl], a_v.at[vsl], in_sem.at[slot]),
            pltpu.make_async_copy(b_hbm.at[hsl], b_v.at[vsl], in_sem.at[slot]),
        ]

    def out_copy(g, slot):
        return pltpu.make_async_copy(
            o_v.at[pl.ds(slot * _C, _C)],
            o_hbm.at[pl.ds(wbase + g * _C, _C)], out_sem.at[slot])

    def compute(soff):
        def inner(i, _):
            for j in range(5):
                s = pl.ds(pl.multiple_of(soff + i * 80 + j * 16, 16), 16)
                o_v[s] = a_v[s] + b_v[s] * jnp.maximum(p_v[s], 0.0)
            return 0
        lax.fori_loop(0, _C // 80, inner, 0, unroll=False)

    for cp in in_copies(0, 0):
        cp.start()

    def chunk_step(g, _):
        slot = lax.rem(g, 2)

        @pl.when(g + 1 < _NCHUNK)
        def _():
            for cp in in_copies(g + 1, 1 - slot):
                cp.start()

        for cp in in_copies(g, slot):
            cp.wait()

        @pl.when(g >= 2)
        def _():
            out_copy(g - 2, slot).wait()

        @pl.when(slot == 0)
        def _():
            compute(0)

        @pl.when(slot == 1)
        def _():
            compute(_C)
        out_copy(g, slot).start()
        return 0

    lax.fori_loop(0, _NCHUNK, chunk_step, 0, unroll=False)
    out_copy(_NCHUNK - 2, (_NCHUNK - 2) % 2).wait()
    out_copy(_NCHUNK - 1, (_NCHUNK - 1) % 2).wait()


def kernel(products, A, B):
    mesh = plsc.VectorSubcoreMesh(core_axis_name="c", subcore_axis_name="s")
    run = functools.partial(
        pl.kernel,
        mesh=mesh,
        out_type=jax.ShapeDtypeStruct((_N,), jnp.float32),
        scratch_types=[
            pltpu.VMEM((2 * _C,), jnp.float32),
            pltpu.VMEM((2 * _C,), jnp.float32),
            pltpu.VMEM((2 * _C,), jnp.float32),
            pltpu.VMEM((2 * _C,), jnp.float32),
            pltpu.SemaphoreType.DMA((2,)),
            pltpu.SemaphoreType.DMA((2,)),
        ],
    )(_sc_body)
    return run(products, A, B)

# --- scband reference (transcript-rebuilt; emitter-appended) ---
"""Pipeline reference for scband-relu-interaction-18425409699984 (READ-ONLY COPY).

The authoritative reference and input builder live on the scoring server;
editing this copy changes nothing except your own understanding.
"""

import jax, jax.numpy as jnp
import numpy as np

N_WEIGHTS = 1600000
EPS = 0.01

def setup_inputs(seed: int = 0) -> dict:
    key = jax.random.key(seed)
    k_prod, k_a, k_b = jax.random.split(key, 3)
    products = jax.random.normal(k_prod, (N_WEIGHTS,), dtype=jnp.float32)
    # learned parameters, initialized exactly as in __init__: eps * normal
    A = EPS * jax.random.normal(k_a, (N_WEIGHTS,), dtype=jnp.float32)
    B = EPS * jax.random.normal(k_b, (N_WEIGHTS,), dtype=jnp.float32)
    return {"products": products, "A": A, "B": B}

def reference(products, A, B):
    # faithful translation of __call__: A + B * relu(products)
    return A + B * jax.nn.relu(products)

if __name__ == "__main__":
    import jax
    _d = setup_inputs()
    print(jax.jit(kernel)(*tuple(_d.values())))

</pallas_src>

<mosaic_0001>
#map = affine_map<(d0, d1) -> (0)>
module attributes {stable_mosaic.version = 14 : i64} {
  func.func @_sc_body(%arg0: i32, %arg1: i32, %arg2: memref<1600000xf32, #tpu.memory_space<hbm>>, %arg3: memref<1600000xf32, #tpu.memory_space<hbm>>, %arg4: memref<1600000xf32, #tpu.memory_space<hbm>>, %arg5: memref<1600000xf32, #tpu.memory_space<hbm>>, %arg6: memref<20000xf32, #tpu.memory_space<vmem>>, %arg7: memref<20000xf32, #tpu.memory_space<vmem>>, %arg8: memref<20000xf32, #tpu.memory_space<vmem>>, %arg9: memref<20000xf32, #tpu.memory_space<vmem>>, %arg10: memref<2x!tpu.dma_semaphore, #tpu.memory_space<semaphore_mem>>, %arg11: memref<2x!tpu.dma_semaphore, #tpu.memory_space<semaphore_mem>>) attributes {dimension_semantics = [#tpu.dimension_semantics<core_parallel>, #tpu.dimension_semantics<subcore_parallel>], iteration_bounds = array<i64: 2, 16>, scalar_prefetch = 0 : i64, scratch_operands = 6 : i64, tpu.core_type = #tpu.core_type<sc_vector_subcore>, window_params = [{transform_indices = #map}, {transform_indices = #map}, {transform_indices = #map}, {transform_indices = #map}]} {
    %mul3A = arith.constant 2 : i32
    %mul3A_0 = arith.muli %arg1, %mul3A : i32
    %add3A = arith.addi %mul3A_0, %arg0 : i32
    %mul3A_1 = arith.constant 50000 : i32
    %mul3A_2 = arith.muli %add3A, %mul3A_1 : i32
    %add3A_3 = arith.constant 0 : i32
    %add3A_4 = arith.addi %mul3A_2, %add3A_3 : i32
    %dma_start3A = arith.constant 0 : i32
    %dma_start3A_5 = arith.constant 0 : i32
    %dma_start3A_6 = tpu.memref_slice %arg6[%dma_start3A_5] : memref<20000xf32, #tpu.memory_space<vmem>> -> memref<10000xf32, #tpu.memory_space<vmem>>
    %dma_start3A_7 = tpu.memref_slice %arg2[%add3A_4] : memref<1600000xf32, #tpu.memory_space<hbm>> -> memref<10000xf32, #tpu.memory_space<hbm>>
    %dma_start3A_8 = tpu.memref_slice %arg10[%dma_start3A] : memref<2x!tpu.dma_semaphore, #tpu.memory_space<semaphore_mem>> -> memref<1x!tpu.dma_semaphore, #tpu.memory_space<semaphore_mem>>
    %dma_start3A_9 = tpu.memref_squeeze %dma_start3A_8 : memref<1x!tpu.dma_semaphore, #tpu.memory_space<semaphore_mem>> -> memref<!tpu.dma_semaphore, #tpu.memory_space<semaphore_mem>>
    %dma_start3A_10 = arith.constant 0 : i32
    %dma_start3A_11 = tpu.memref_slice %arg6[%dma_start3A_10] : memref<20000xf32, #tpu.memory_space<vmem>> -> memref<10000xf32, #tpu.memory_space<vmem>>
    %dma_start3A_12 = tpu.memref_slice %arg2[%add3A_4] : memref<1600000xf32, #tpu.memory_space<hbm>> -> memref<10000xf32, #tpu.memory_space<hbm>>
    tpu.enqueue_dma source(%dma_start3A_12 : memref<10000xf32, #tpu.memory_space<hbm>>) target(%dma_start3A_11 : memref<10000xf32, #tpu.memory_space<vmem>>) target_semaphore(%dma_start3A_9 : memref<!tpu.dma_semaphore, #tpu.memory_space<semaphore_mem>>)
    %dma_start3A_13 = arith.constant 0 : i32
    %dma_start3A_14 = arith.constant 0 : i32
    %dma_start3A_15 = tpu.memref_slice %arg7[%dma_start3A_14] : memref<20000xf32, #tpu.memory_space<vmem>> -> memref<10000xf32, #tpu.memory_space<vmem>>
    %dma_start3A_16 = tpu.memref_slice %arg3[%add3A_4] : memref<1600000xf32, #tpu.memory_space<hbm>> -> memref<10000xf32, #tpu.memory_space<hbm>>
    %dma_start3A_17 = tpu.memref_slice %arg10[%dma_start3A_13] : memref<2x!tpu.dma_semaphore, #tpu.memory_space<semaphore_mem>> -> memref<1x!tpu.dma_semaphore, #tpu.memory_space<semaphore_mem>>
    %dma_start3A_18 = tpu.memref_squeeze %dma_start3A_17 : memref<1x!tpu.dma_semaphore, #tpu.memory_space<semaphore_mem>> -> memref<!tpu.dma_semaphore, #tpu.memory_space<semaphore_mem>>
    %dma_start3A_19 = arith.constant 0 : i32
    %dma_start3A_20 = tpu.memref_slice %arg7[%dma_start3A_19] : memref<20000xf32, #tpu.memory_space<vmem>> -> memref<10000xf32, #tpu.memory_space<vmem>>
    %dma_start3A_21 = tpu.memref_slice %arg3[%add3A_4] : memref<1600000xf32, #tpu.memory_space<hbm>> -> memref<10000xf32, #tpu.memory_space<hbm>>
    tpu.enqueue_dma source(%dma_start3A_21 : memref<10000xf32, #tpu.memory_space<hbm>>) target(%dma_start3A_20 : memref<10000xf32, #tpu.memory_space<vmem>>) target_semaphore(%dma_start3A_18 : memref<!tpu.dma_semaphore, #tpu.memory_space<semaphore_mem>>)
    %dma_start3A_22 = arith.constant 0 : i32
    %dma_start3A_23 = arith.constant 0 : i32
    %dma_start3A_24 = tpu.memref_slice %arg8[%dma_start3A_23] : memref<20000xf32, #tpu.memory_space<vmem>> -> memref<10000xf32, #tpu.memory_space<vmem>>
    %dma_start3A_25 = tpu.memref_slice %arg4[%add3A_4] : memref<1600000xf32, #tpu.memory_space<hbm>> -> memref<10000xf32, #tpu.memory_space<hbm>>
    %dma_start3A_26 = tpu.memref_slice %arg10[%dma_start3A_22] : memref<2x!tpu.dma_semaphore, #tpu.memory_space<semaphore_mem>> -> memref<1x!tpu.dma_semaphore, #tpu.memory_space<semaphore_mem>>
    %dma_start3A_27 = tpu.memref_squeeze %dma_start3A_26 : memref<1x!tpu.dma_semaphore, #tpu.memory_space<semaphore_mem>> -> memref<!tpu.dma_semaphore, #tpu.memory_space<semaphore_mem>>
    %dma_start3A_28 = arith.constant 0 : i32
    %dma_start3A_29 = tpu.memref_slice %arg8[%dma_start3A_28] : memref<20000xf32, #tpu.memory_space<vmem>> -> memref<10000xf32, #tpu.memory_space<vmem>>
    %dma_start3A_30 = tpu.memref_slice %arg4[%add3A_4] : memref<1600000xf32, #tpu.memory_space<hbm>> -> memref<10000xf32, #tpu.memory_space<hbm>>
    tpu.enqueue_dma source(%dma_start3A_30 : memref<10000xf32, #tpu.memory_space<hbm>>) target(%dma_start3A_29 : memref<10000xf32, #tpu.memory_space<vmem>>) target_semaphore(%dma_start3A_27 : memref<!tpu.dma_semaphore, #tpu.memory_space<semaphore_mem>>)
    %scan3A = arith.constant 0 : i32
    %scan3A_31 = arith.constant 0 : i32
    %scan3A_32 = arith.constant 5 : i32
    %scan3A_33 = arith.addi %scan3A_31, %scan3A_32 : i32
    %scan3A_34 = arith.constant 1 : i32
    %scan3A_35 = scf.for %scan3A_58 = %scan3A_31 to %scan3A_33 step %scan3A_34 iter_args(%scan3A_59 = %scan3A) -> (i32)  : i32 {
      %rem3A = arith.constant 2 : i32
      %rem3A_60 = arith.remsi %scan3A_58, %rem3A : i32
      %add3A_61 = arith.constant 1 : i32
      %add3A_62 = arith.addi %scan3A_58, %add3A_61 : i32
      %lt3A = arith.constant 5 : i32
      %lt3A_63 = arith.cmpi slt, %add3A_62, %lt3A : i32
      %convert_element_type3A = arith.extui %lt3A_63 : i1 to i32
      %cond3A = arith.constant 0 : i32
      %cond3A_64 = arith.cmpi ne, %convert_element_type3A, %cond3A : i32
      scf.if %cond3A_64 {
        %add3A_113 = arith.constant 1 : i32
        %add3A_114 = arith.addi %scan3A_58, %add3A_113 : i32
        %sub3A = arith.constant 1 : i32
        %sub3A_115 = arith.subi %sub3A, %rem3A_60 : i32
        %mul3A_116 = arith.constant 10000 : i32
        %mul3A_117 = arith.muli %add3A_114, %mul3A_116 : i32
        %add3A_118 = arith.addi %mul3A_2, %mul3A_117 : i32
        %mul3A_119 = arith.constant 10000 : i32
        %mul3A_120 = arith.muli %sub3A_115, %mul3A_119 : i32
        %dma_start3A_121 = tpu.memref_slice %arg6[%mul3A_120] : memref<20000xf32, #tpu.memory_space<vmem>> -> memref<10000xf32, #tpu.memory_space<vmem>>
        %dma_start3A_122 = tpu.memref_slice %arg2[%add3A_118] : memref<1600000xf32, #tpu.memory_space<hbm>> -> memref<10000xf32, #tpu.memory_space<hbm>>
        %dma_start3A_123 = tpu.memref_slice %arg10[%sub3A_115] : memref<2x!tpu.dma_semaphore, #tpu.memory_space<semaphore_mem>> -> memref<1x!tpu.dma_semaphore, #tpu.memory_space<semaphore_mem>>
        %dma_start3A_124 = tpu.memref_squeeze %dma_start3A_123 : memref<1x!tpu.dma_semaphore, #tpu.memory_space<semaphore_mem>> -> memref<!tpu.dma_semaphore, #tpu.memory_space<semaphore_mem>>
        %dma_start3A_125 = tpu.memref_slice %arg6[%mul3A_120] : memref<20000xf32, #tpu.memory_space<vmem>> -> memref<10000xf32, #tpu.memory_space<vmem>>
        %dma_start3A_126 = tpu.memref_slice %arg2[%add3A_118] : memref<1600000xf32, #tpu.memory_space<hbm>> -> memref<10000xf32, #tpu.memory_space<hbm>>
        tpu.enqueue_dma source(%dma_start3A_126 : memref<10000xf32, #tpu.memory_space<hbm>>) target(%dma_start3A_125 : memref<10000xf32, #tpu.memory_space<vmem>>) target_semaphore(%dma_start3A_124 : memref<!tpu.dma_semaphore, #tpu.memory_space<semaphore_mem>>)
        %dma_start3A_127 = tpu.memref_slice %arg7[%mul3A_120] : memref<20000xf32, #tpu.memory_space<vmem>> -> memref<10000xf32, #tpu.memory_space<vmem>>
        %dma_start3A_128 = tpu.memref_slice %arg3[%add3A_118] : memref<1600000xf32, #tpu.memory_space<hbm>> -> memref<10000xf32, #tpu.memory_space<hbm>>
        %dma_start3A_129 = tpu.memref_slice %arg10[%sub3A_115] : memref<2x!tpu.dma_semaphore, #tpu.memory_space<semaphore_mem>> -> memref<1x!tpu.dma_semaphore, #tpu.memory_space<semaphore_mem>>
        %dma_start3A_130 = tpu.memref_squeeze %dma_start3A_129 : memref<1x!tpu.dma_semaphore, #tpu.memory_space<semaphore_mem>> -> memref<!tpu.dma_semaphore, #tpu.memory_space<semaphore_mem>>
        %dma_start3A_131 = tpu.memref_slice %arg7[%mul3A_120] : memref<20000xf32, #tpu.memory_space<vmem>> -> memref<10000xf32, #tpu.memory_space<vmem>>
        %dma_start3A_132 = tpu.memref_slice %arg3[%add3A_118] : memref<1600000xf32, #tpu.memory_space<hbm>> -> memref<10000xf32, #tpu.memory_space<hbm>>
        tpu.enqueue_dma source(%dma_start3A_132 : memref<10000xf32, #tpu.memory_space<hbm>>) target(%dma_start3A_131 : memref<10000xf32, #tpu.memory_space<vmem>>) target_semaphore(%dma_start3A_130 : memref<!tpu.dma_semaphore, #tpu.memory_space<semaphore_mem>>)
        %dma_start3A_133 = tpu.memref_slice %arg8[%mul3A_120] : memref<20000xf32, #tpu.memory_space<vmem>> -> memref<10000xf32, #tpu.memory_space<vmem>>
        %dma_start3A_134 = tpu.memref_slice %arg4[%add3A_118] : memref<1600000xf32, #tpu.memory_space<hbm>> -> memref<10000xf32, #tpu.memory_space<hbm>>
        %dma_start3A_135 = tpu.memref_slice %arg10[%sub3A_115] : memref<2x!tpu.dma_semaphore, #tpu.memory_space<semaphore_mem>> -> memref<1x!tpu.dma_semaphore, #tpu.memory_space<semaphore_mem>>
        %dma_start3A_136 = tpu.memref_squeeze %dma_start3A_135 : memref<1x!tpu.dma_semaphore, #tpu.memory_space<semaphore_mem>> -> memref<!tpu.dma_semaphore, #tpu.memory_space<semaphore_mem>>
        %dma_start3A_137 = tpu.memref_slice %arg8[%mul3A_120] : memref<20000xf32, #tpu.memory_space<vmem>> -> memref<10000xf32, #tpu.memory_space<vmem>>
        %dma_start3A_138 = tpu.memref_slice %arg4[%add3A_118] : memref<1600000xf32, #tpu.memory_space<hbm>> -> memref<10000xf32, #tpu.memory_space<hbm>>
        tpu.enqueue_dma source(%dma_start3A_138 : memref<10000xf32, #tpu.memory_space<hbm>>) target(%dma_start3A_137 : memref<10000xf32, #tpu.memory_space<vmem>>) target_semaphore(%dma_start3A_136 : memref<!tpu.dma_semaphore, #tpu.memory_space<semaphore_mem>>)
      } else {
      }
      %mul3A_65 = arith.constant 10000 : i32
      %mul3A_66 = arith.muli %scan3A_58, %mul3A_65 : i32
      %add3A_67 = arith.addi %mul3A_2, %mul3A_66 : i32
      %mul3A_68 = arith.constant 10000 : i32
      %mul3A_69 = arith.muli %rem3A_60, %mul3A_68 : i32
      %dma_wait3A_70 = tpu.memref_slice %arg6[%mul3A_69] : memref<20000xf32, #tpu.memory_space<vmem>> -> memref<10000xf32, #tpu.memory_space<vmem>>
      %dma_wait3A_71 = tpu.memref_slice %arg2[%add3A_67] : memref<1600000xf32, #tpu.memory_space<hbm>> -> memref<10000xf32, #tpu.memory_space<hbm>>
      %dma_wait3A_72 = tpu.memref_slice %arg10[%rem3A_60] : memref<2x!tpu.dma_semaphore, #tpu.memory_space<semaphore_mem>> -> memref<1x!tpu.dma_semaphore, #tpu.memory_space<semaphore_mem>>
      %dma_wait3A_73 = tpu.memref_squeeze %dma_wait3A_72 : memref<1x!tpu.dma_semaphore, #tpu.memory_space<semaphore_mem>> -> memref<!tpu.dma_semaphore, #tpu.memory_space<semaphore_mem>>
      %dma_wait3A_74 = tpu.memref_slice %arg6[%mul3A_69] : memref<20000xf32, #tpu.memory_space<vmem>> -> memref<10000xf32, #tpu.memory_space<vmem>>
      %dma_wait3A_75 = tpu.memref_slice %arg2[%add3A_67] : memref<1600000xf32, #tpu.memory_space<hbm>> -> memref<10000xf32, #tpu.memory_space<hbm>>
      tpu.wait_dma2 semaphore(%dma_wait3A_73 : memref<!tpu.dma_semaphore, #tpu.memory_space<semaphore_mem>>) src(%dma_wait3A_75 : memref<10000xf32, #tpu.memory_space<hbm>>) dst(%dma_wait3A_74 : memref<10000xf32, #tpu.memory_space<vmem>>)
      %dma_wait3A_76 = tpu.memref_slice %arg7[%mul3A_69] : memref<20000xf32, #tpu.memory_space<vmem>> -> memref<10000xf32, #tpu.memory_space<vmem>>
      %dma_wait3A_77 = tpu.memref_slice %arg3[%add3A_67] : memref<1600000xf32, #tpu.memory_space<hbm>> -> memref<10000xf32, #tpu.memory_space<hbm>>
      %dma_wait3A_78 = tpu.memref_slice %arg10[%rem3A_60] : memref<2x!tpu.dma_semaphore, #tpu.memory_space<semaphore_mem>> -> memref<1x!tpu.dma_semaphore, #tpu.memory_space<semaphore_mem>>
      %dma_wait3A_79 = tpu.memref_squeeze %dma_wait3A_78 : memref<1x!tpu.dma_semaphore, #tpu.memory_space<semaphore_mem>> -> memref<!tpu.dma_semaphore, #tpu.memory_space<semaphore_mem>>
      %dma_wait3A_80 = tpu.memref_slice %arg7[%mul3A_69] : memref<20000xf32, #tpu.memory_space<vmem>> -> memref<10000xf32, #tpu.memory_space<vmem>>
      %dma_wait3A_81 = tpu.memref_slice %arg3[%add3A_67] : memref<1600000xf32, #tpu.memory_space<hbm>> -> memref<10000xf32, #tpu.memory_space<hbm>>
      tpu.wait_dma2 semaphore(%dma_wait3A_79 : memref<!tpu.dma_semaphore, #tpu.memory_space<semaphore_mem>>) src(%dma_wait3A_81 : memref<10000xf32, #tpu.memory_space<hbm>>) dst(%dma_wait3A_80 : memref<10000xf32, #tpu.memory_space<vmem>>)
      %dma_wait3A_82 = tpu.memref_slice %arg8[%mul3A_69] : memref<20000xf32, #tpu.memory_space<vmem>> -> memref<10000xf32, #tpu.memory_space<vmem>>
      %dma_wait3A_83 = tpu.memref_slice %arg4[%add3A_67] : memref<1600000xf32, #tpu.memory_space<hbm>> -> memref<10000xf32, #tpu.memory_space<hbm>>
      %dma_wait3A_84 = tpu.memref_slice %arg10[%rem3A_60] : memref<2x!tpu.dma_semaphore, #tpu.memory_space<semaphore_mem>> -> memref<1x!tpu.dma_semaphore, #tpu.memory_space<semaphore_mem>>
      %dma_wait3A_85 = tpu.memref_squeeze %dma_wait3A_84 : memref<1x!tpu.dma_semaphore, #tpu.memory_space<semaphore_mem>> -> memref<!tpu.dma_semaphore, #tpu.memory_space<semaphore_mem>>
      %dma_wait3A_86 = tpu.memref_slice %arg8[%mul3A_69] : memref<20000xf32, #tpu.memory_space<vmem>> -> memref<10000xf32, #tpu.memory_space<vmem>>
      %dma_wait3A_87 = tpu.memref_slice %arg4[%add3A_67] : memref<1600000xf32, #tpu.memory_space<hbm>> -> memref<10000xf32, #tpu.memory_space<hbm>>
      tpu.wait_dma2 semaphore(%dma_wait3A_85 : memref<!tpu.dma_semaphore, #tpu.memory_space<semaphore_mem>>) src(%dma_wait3A_87 : memref<10000xf32, #tpu.memory_space<hbm>>) dst(%dma_wait3A_86 : memref<10000xf32, #tpu.memory_space<vmem>>)
      %ge3A = arith.constant 2 : i32
      %ge3A_88 = arith.cmpi sge, %scan3A_58, %ge3A : i32
      %convert_element_type3A_89 = arith.extui %ge3A_88 : i1 to i32
      %cond3A_90 = arith.constant 0 : i32
      %cond3A_91 = arith.cmpi ne, %convert_element_type3A_89, %cond3A_90 : i32
      scf.if %cond3A_91 {
        %sub3A = arith.constant 2 : i32
        %sub3A_113 = arith.subi %scan3A_58, %sub3A : i32
        %mul3A_114 = arith.constant 10000 : i32
        %mul3A_115 = arith.muli %rem3A_60, %mul3A_114 : i32
        %mul3A_116 = arith.constant 10000 : i32
        %mul3A_117 = arith.muli %sub3A_113, %mul3A_116 : i32
        %add3A_118 = arith.addi %mul3A_2, %mul3A_117 : i32
        %dma_wait3A_119 = tpu.memref_slice %arg9[%mul3A_115] : memref<20000xf32, #tpu.memory_space<vmem>> -> memref<10000xf32, #tpu.memory_space<vmem>>
        %dma_wait3A_120 = tpu.memref_slice %arg5[%add3A_118] : memref<1600000xf32, #tpu.memory_space<hbm>> -> memref<10000xf32, #tpu.memory_space<hbm>>
        %dma_wait3A_121 = tpu.memref_slice %arg11[%rem3A_60] : memref<2x!tpu.dma_semaphore, #tpu.memory_space<semaphore_mem>> -> memref<1x!tpu.dma_semaphore, #tpu.memory_space<semaphore_mem>>
        %dma_wait3A_122 = tpu.memref_squeeze %dma_wait3A_121 : memref<1x!tpu.dma_semaphore, #tpu.memory_space<semaphore_mem>> -> memref<!tpu.dma_semaphore, #tpu.memory_space<semaphore_mem>>
        %dma_wait3A_123 = tpu.memref_slice %arg5[%add3A_118] : memref<1600000xf32, #tpu.memory_space<hbm>> -> memref<10000xf32, #tpu.memory_space<hbm>>
        %dma_wait3A_124 = tpu.memref_slice %arg9[%mul3A_115] : memref<20000xf32, #tpu.memory_space<vmem>> -> memref<10000xf32, #tpu.memory_space<vmem>>
        tpu.wait_dma2 semaphore(%dma_wait3A_122 : memref<!tpu.dma_semaphore, #tpu.memory_space<semaphore_mem>>) src(%dma_wait3A_124 : memref<10000xf32, #tpu.memory_space<vmem>>) dst(%dma_wait3A_123 : memref<10000xf32, #tpu.memory_space<hbm>>)
      } else {
      }
      %eq3A = arith.constant 0 : i32
      %eq3A_92 = arith.cmpi eq, %rem3A_60, %eq3A : i32
      %convert_element_type3A_93 = arith.extui %eq3A_92 : i1 to i32
      %cond3A_94 = arith.constant 0 : i32
      %cond3A_95 = arith.cmpi ne, %convert_element_type3A_93, %cond3A_94 : i32
      scf.if %cond3A_95 {
        %scan3A_113 = arith.constant 0 : i32
        %scan3A_114 = arith.constant 0 : i32
        %scan3A_115 = arith.constant 125 : i32
        %scan3A_116 = arith.addi %scan3A_114, %scan3A_115 : i32
        %scan3A_117 = arith.constant 1 : i32
        %scan3A_118 = scf.for %scan3A_120 = %scan3A_114 to %scan3A_116 step %scan3A_117 iter_args(%scan3A_121 = %scan3A_113) -> (i32)  : i32 {
          %mul3A_122 = arith.constant 80 : i32
          %mul3A_123 = arith.muli %scan3A_120, %mul3A_122 : i32
          %add3A_124 = arith.constant 0 : i32
          %add3A_125 = arith.addi %add3A_124, %mul3A_123 : i32
          %add3A_126 = arith.constant 0 : i32
          %add3A_127 = arith.addi %add3A_125, %add3A_126 : i32
          %multiple_of3A = tpu.assume_multiple %add3A_127, 16 : i32
          %get3A = arith.index_cast %multiple_of3A : i32 to index
          %get3A_128 = tpu.vector_load %arg7[%get3A] {strides = array<i32>} : memref<20000xf32, #tpu.memory_space<vmem>>, vector<16xf32>,
          %get3A_129 = vector.shape_cast %get3A_128 : vector<16xf32> to vector<16xf32>
          %get3A_130 = arith.index_cast %multiple_of3A : i32 to index
          %get3A_131 = tpu.vector_load %arg8[%get3A_130] {strides = array<i32>} : memref<20000xf32, #tpu.memory_space<vmem>>, vector<16xf32>,
          %get3A_132 = vector.shape_cast %get3A_131 : vector<16xf32> to vector<16xf32>
          %get3A_133 = arith.index_cast %multiple_of3A : i32 to index
          %get3A_134 = tpu.vector_load %arg6[%get3A_133] {strides = array<i32>} : memref<20000xf32, #tpu.memory_space<vmem>>, vector<16xf32>,
          %get3A_135 = vector.shape_cast %get3A_134 : vector<16xf32> to vector<16xf32>
          %max3A = arith.constant 0.000000e+00 : f32
          %max3A_136 = vector.broadcast %max3A : f32 to vector<16xf32>
          %max3A_137 = arith.maximumf %get3A_135, %max3A_136 : vector<16xf32>
          %mul3A_138 = arith.mulf %get3A_132, %max3A_137 : vector<16xf32>
          %add3A_139 = arith.addf %get3A_129, %mul3A_138 : vector<16xf32>
          %swap3A = arith.index_cast %multiple_of3A : i32 to index
          %swap3A_140 = tpu.vector_load %arg9[%swap3A] {strides = array<i32>} : memref<20000xf32, #tpu.memory_space<vmem>>, vector<16xf32>,
          %swap3A_141 = vector.shape_cast %swap3A_140 : vector<16xf32> to vector<16xf32>
          %swap3A_142 = vector.shape_cast %add3A_139 : vector<16xf32> to vector<16xf32>
          tpu.vector_store %arg9[%swap3A], %swap3A_142 {strides = array<i32>} : memref<20000xf32, #tpu.memory_space<vmem>>, vector<16xf32>,
          %mul3A_143 = arith.constant 80 : i32
          %mul3A_144 = arith.muli %scan3A_120, %mul3A_143 : i32
          %add3A_145 = arith.constant 0 : i32
          %add3A_146 = arith.addi %add3A_145, %mul3A_144 : i32
          %add3A_147 = arith.constant 16 : i32
          %add3A_148 = arith.addi %add3A_146, %add3A_147 : i32
          %multiple_of3A_149 = tpu.assume_multiple %add3A_148, 16 : i32
          %get3A_150 = arith.index_cast %multiple_of3A_149 : i32 to index
          %get3A_151 = tpu.vector_load %arg7[%get3A_150] {strides = array<i32>} : memref<20000xf32, #tpu.memory_space<vmem>>, vector<16xf32>,
          %get3A_152 = vector.shape_cast %get3A_151 : vector<16xf32> to vector<16xf32>
          %get3A_153 = arith.index_cast %multiple_of3A_149 : i32 to index
          %get3A_154 = tpu.vector_load %arg8[%get3A_153] {strides = array<i32>} : memref<20000xf32, #tpu.memory_space<vmem>>, vector<16xf32>,
          %get3A_155 = vector.shape_cast %get3A_154 : vector<16xf32> to vector<16xf32>
          %get3A_156 = arith.index_cast %multiple_of3A_149 : i32 to index
          %get3A_157 = tpu.vector_load %arg6[%get3A_156] {strides = array<i32>} : memref<20000xf32, #tpu.memory_space<vmem>>, vector<16xf32>,
          %get3A_158 = vector.shape_cast %get3A_157 : vector<16xf32> to vector<16xf32>
          %max3A_159 = arith.constant 0.000000e+00 : f32
          %max3A_160 = vector.broadcast %max3A_159 : f32 to vector<16xf32>
          %max3A_161 = arith.maximumf %get3A_158, %max3A_160 : vector<16xf32>
          %mul3A_162 = arith.mulf %get3A_155, %max3A_161 : vector<16xf32>
          %add3A_163 = arith.addf %get3A_152, %mul3A_162 : vector<16xf32>
          %swap3A_164 = arith.index_cast %multiple_of3A_149 : i32 to index
          %swap3A_165 = tpu.vector_load %arg9[%swap3A_164] {strides = array<i32>} : memref<20000xf32, #tpu.memory_space<vmem>>, vector<16xf32>,
          %swap3A_166 = vector.shape_cast %swap3A_165 : vector<16xf32> to vector<16xf32>
          %swap3A_167 = vector.shape_cast %add3A_163 : vector<16xf32> to vector<16xf32>
          tpu.vector_store %arg9[%swap3A_164], %swap3A_167 {strides = array<i32>} : memref<20000xf32, #tpu.memory_space<vmem>>, vector<16xf32>,
          %mul3A_168 = arith.constant 80 : i32
          %mul3A_169 = arith.muli %scan3A_120, %mul3A_168 : i32
          %add3A_170 = arith.constant 0 : i32
          %add3A_171 = arith.addi %add3A_170, %mul3A_169 : i32
          %add3A_172 = arith.constant 32 : i32
          %add3A_173 = arith.addi %add3A_171, %add3A_172 : i32
          %multiple_of3A_174 = tpu.assume_multiple %add3A_173, 16 : i32
          %get3A_175 = arith.index_cast %multiple_of3A_174 : i32 to index
          %get3A_176 = tpu.vector_load %arg7[%get3A_175] {strides = array<i32>} : memref<20000xf32, #tpu.memory_space<vmem>>, vector<16xf32>,
          %get3A_177 = vector.shape_cast %get3A_176 : vector<16xf32> to vector<16xf32>
          %get3A_178 = arith.index_cast %multiple_of3A_174 : i32 to index
          %get3A_179 = tpu.vector_load %arg8[%get3A_178] {strides = array<i32>} : memref<20000xf32, #tpu.memory_space<vmem>>, vector<16xf32>,
          %get3A_180 = vector.shape_cast %get3A_179 : vector<16xf32> to vector<16xf32>
          %get3A_181 = arith.index_cast %multiple_of3A_174 : i32 to index
          %get3A_182 = tpu.vector_load %arg6[%get3A_181] {strides = array<i32>} : memref<20000xf32, #tpu.memory_space<vmem>>, vector<16xf32>,
          %get3A_183 = vector.shape_cast %get3A_182 : vector<16xf32> to vector<16xf32>
          %max3A_184 = arith.constant 0.000000e+00 : f32
          %max3A_185 = vector.broadcast %max3A_184 : f32 to vector<16xf32>
          %max3A_186 = arith.maximumf %get3A_183, %max3A_185 : vector<16xf32>
          %mul3A_187 = arith.mulf %get3A_180, %max3A_186 : vector<16xf32>
          %add3A_188 = arith.addf %get3A_177, %mul3A_187 : vector<16xf32>
          %swap3A_189 = arith.index_cast %multiple_of3A_174 : i32 to index
          %swap3A_190 = tpu.vector_load %arg9[%swap3A_189] {strides = array<i32>} : memref<20000xf32, #tpu.memory_space<vmem>>, vector<16xf32>,
          %swap3A_191 = vector.shape_cast %swap3A_190 : vector<16xf32> to vector<16xf32>
          %swap3A_192 = vector.shape_cast %add3A_188 : vector<16xf32> to vector<16xf32>
          tpu.vector_store %arg9[%swap3A_189], %swap3A_192 {strides = array<i32>} : memref<20000xf32, #tpu.memory_space<vmem>>, vector<16xf32>,
          %mul3A_193 = arith.constant 80 : i32
          %mul3A_194 = arith.muli %scan3A_120, %mul3A_193 : i32
          %add3A_195 = arith.constant 0 : i32
          %add3A_196 = arith.addi %add3A_195, %mul3A_194 : i32
          %add3A_197 = arith.constant 48 : i32
          %add3A_198 = arith.addi %add3A_196, %add3A_197 : i32
          %multiple_of3A_199 = tpu.assume_multiple %add3A_198, 16 : i32
          %get3A_200 = arith.index_cast %multiple_of3A_199 : i32 to index
          %get3A_201 = tpu.vector_load %arg7[%get3A_200] {strides = array<i32>} : memref<20000xf32, #tpu.memory_space<vmem>>, vector<16xf32>,
          %get3A_202 = vector.shape_cast %get3A_201 : vector<16xf32> to vector<16xf32>
          %get3A_203 = arith.index_cast %multiple_of3A_199 : i32 to index
          %get3A_204 = tpu.vector_load %arg8[%get3A_203] {strides = array<i32>} : memref<20000xf32, #tpu.memory_space<vmem>>, vector<16xf32>,
          %get3A_205 = vector.shape_cast %get3A_204 : vector<16xf32> to vector<16xf32>
          %get3A_206 = arith.index_cast %multiple_of3A_199 : i32 to index
          %get3A_207 = tpu.vector_load %arg6[%get3A_206] {strides = array<i32>} : memref<20000xf32, #tpu.memory_space<vmem>>, vector<16xf32>,
          %get3A_208 = vector.shape_cast %get3A_207 : vector<16xf32> to vector<16xf32>
          %max3A_209 = arith.constant 0.000000e+00 : f32
          %max3A_210 = vector.broadcast %max3A_209 : f32 to vector<16xf32>
          %max3A_211 = arith.maximumf %get3A_208, %max3A_210 : vector<16xf32>
          %mul3A_212 = arith.mulf %get3A_205, %max3A_211 : vector<16xf32>
          %add3A_213 = arith.addf %get3A_202, %mul3A_212 : vector<16xf32>
          %swap3A_214 = arith.index_cast %multiple_of3A_199 : i32 to index
          %swap3A_215 = tpu.vector_load %arg9[%swap3A_214] {strides = array<i32>} : memref<20000xf32, #tpu.memory_space<vmem>>, vector<16xf32>,
          %swap3A_216 = vector.shape_cast %swap3A_215 : vector<16xf32> to vector<16xf32>
          %swap3A_217 = vector.shape_cast %add3A_213 : vector<16xf32> to vector<16xf32>
          tpu.vector_store %arg9[%swap3A_214], %swap3A_217 {strides = array<i32>} : memref<20000xf32, #tpu.memory_space<vmem>>, vector<16xf32>,
          %mul3A_218 = arith.constant 80 : i32
          %mul3A_219 = arith.muli %scan3A_120, %mul3A_218 : i32
          %add3A_220 = arith.constant 0 : i32
          %add3A_221 = arith.addi %add3A_220, %mul3A_219 : i32
          %add3A_222 = arith.constant 64 : i32
          %add3A_223 = arith.addi %add3A_221, %add3A_222 : i32
          %multiple_of3A_224 = tpu.assume_multiple %add3A_223, 16 : i32
          %get3A_225 = arith.index_cast %multiple_of3A_224 : i32 to index
          %get3A_226 = tpu.vector_load %arg7[%get3A_225] {strides = array<i32>} : memref<20000xf32, #tpu.memory_space<vmem>>, vector<16xf32>,
          %get3A_227 = vector.shape_cast %get3A_226 : vector<16xf32> to vector<16xf32>
          %get3A_228 = arith.index_cast %multiple_of3A_224 : i32 to index
          %get3A_229 = tpu.vector_load %arg8[%get3A_228] {strides = array<i32>} : memref<20000xf32, #tpu.memory_space<vmem>>, vector<16xf32>,
          %get3A_230 = vector.shape_cast %get3A_229 : vector<16xf32> to vector<16xf32>
          %get3A_231 = arith.index_cast %multiple_of3A_224 : i32 to index
          %get3A_232 = tpu.vector_load %arg6[%get3A_231] {strides = array<i32>} : memref<20000xf32, #tpu.memory_space<vmem>>, vector<16xf32>,
          %get3A_233 = vector.shape_cast %get3A_232 : vector<16xf32> to vector<16xf32>
          %max3A_234 = arith.constant 0.000000e+00 : f32
          %max3A_235 = vector.broadcast %max3A_234 : f32 to vector<16xf32>
          %max3A_236 = arith.maximumf %get3A_233, %max3A_235 : vector<16xf32>
          %mul3A_237 = arith.mulf %get3A_230, %max3A_236 : vector<16xf32>
          %add3A_238 = arith.addf %get3A_227, %mul3A_237 : vector<16xf32>
          %swap3A_239 = arith.index_cast %multiple_of3A_224 : i32 to index
          %swap3A_240 = tpu.vector_load %arg9[%swap3A_239] {strides = array<i32>} : memref<20000xf32, #tpu.memory_space<vmem>>, vector<16xf32>,
          %swap3A_241 = vector.shape_cast %swap3A_240 : vector<16xf32> to vector<16xf32>
          %swap3A_242 = vector.shape_cast %add3A_238 : vector<16xf32> to vector<16xf32>
          tpu.vector_store %arg9[%swap3A_239], %swap3A_242 {strides = array<i32>} : memref<20000xf32, #tpu.memory_space<vmem>>, vector<16xf32>,
          %scan3A_243 = arith.constant 0 : i32
          scf.yield %scan3A_243 : i32
        }
        %scan3A_119 = arith.constant 125 : i32
      } else {
      }
      %eq3A_96 = arith.constant 1 : i32
      %eq3A_97 = arith.cmpi eq, %rem3A_60, %eq3A_96 : i32
      %convert_element_type3A_98 = arith.extui %eq3A_97 : i1 to i32
      %cond3A_99 = arith.constant 0 : i32
      %cond3A_100 = arith.cmpi ne, %convert_element_type3A_98, %cond3A_99 : i32
      scf.if %cond3A_100 {
        %scan3A_113 = arith.constant 0 : i32
        %scan3A_114 = arith.constant 0 : i32
        %scan3A_115 = arith.constant 125 : i32
        %scan3A_116 = arith.addi %scan3A_114, %scan3A_115 : i32
        %scan3A_117 = arith.constant 1 : i32
        %scan3A_118 = scf.for %scan3A_120 = %scan3A_114 to %scan3A_116 step %scan3A_117 iter_args(%scan3A_121 = %scan3A_113) -> (i32)  : i32 {
          %mul3A_122 = arith.constant 80 : i32
          %mul3A_123 = arith.muli %scan3A_120, %mul3A_122 : i32
          %add3A_124 = arith.constant 10000 : i32
          %add3A_125 = arith.addi %add3A_124, %mul3A_123 : i32
          %add3A_126 = arith.constant 0 : i32
          %add3A_127 = arith.addi %add3A_125, %add3A_126 : i32
          %multiple_of3A = tpu.assume_multiple %add3A_127, 16 : i32
          %get3A = arith.index_cast %multiple_of3A : i32 to index
          %get3A_128 = tpu.vector_load %arg7[%get3A] {strides = array<i32>} : memref<20000xf32, #tpu.memory_space<vmem>>, vector<16xf32>,
          %get3A_129 = vector.shape_cast %get3A_128 : vector<16xf32> to vector<16xf32>
          %get3A_130 = arith.index_cast %multiple_of3A : i32 to index
          %get3A_131 = tpu.vector_load %arg8[%get3A_130] {strides = array<i32>} : memref<20000xf32, #tpu.memory_space<vmem>>, vector<16xf32>,
          %get3A_132 = vector.shape_cast %get3A_131 : vector<16xf32> to vector<16xf32>
          %get3A_133 = arith.index_cast %multiple_of3A : i32 to index
          %get3A_134 = tpu.vector_load %arg6[%get3A_133] {strides = array<i32>} : memref<20000xf32, #tpu.memory_space<vmem>>, vector<16xf32>,
          %get3A_135 = vector.shape_cast %get3A_134 : vector<16xf32> to vector<16xf32>
          %max3A = arith.constant 0.000000e+00 : f32
          %max3A_136 = vector.broadcast %max3A : f32 to vector<16xf32>
          %max3A_137 = arith.maximumf %get3A_135, %max3A_136 : vector<16xf32>
          %mul3A_138 = arith.mulf %get3A_132, %max3A_137 : vector<16xf32>
          %add3A_139 = arith.addf %get3A_129, %mul3A_138 : vector<16xf32>
          %swap3A = arith.index_cast %multiple_of3A : i32 to index
          %swap3A_140 = tpu.vector_load %arg9[%swap3A] {strides = array<i32>} : memref<20000xf32, #tpu.memory_space<vmem>>, vector<16xf32>,
          %swap3A_141 = vector.shape_cast %swap3A_140 : vector<16xf32> to vector<16xf32>
          %swap3A_142 = vector.shape_cast %add3A_139 : vector<16xf32> to vector<16xf32>
          tpu.vector_store %arg9[%swap3A], %swap3A_142 {strides = array<i32>} : memref<20000xf32, #tpu.memory_space<vmem>>, vector<16xf32>,
          %mul3A_143 = arith.constant 80 : i32
          %mul3A_144 = arith.muli %scan3A_120, %mul3A_143 : i32
          %add3A_145 = arith.constant 10000 : i32
          %add3A_146 = arith.addi %add3A_145, %mul3A_144 : i32
          %add3A_147 = arith.constant 16 : i32
          %add3A_148 = arith.addi %add3A_146, %add3A_147 : i32
          %multiple_of3A_149 = tpu.assume_multiple %add3A_148, 16 : i32
          %get3A_150 = arith.index_cast %multiple_of3A_149 : i32 to index
          %get3A_151 = tpu.vector_load %arg7[%get3A_150] {strides = array<i32>} : memref<20000xf32, #tpu.memory_space<vmem>>, vector<16xf32>,
          %get3A_152 = vector.shape_cast %get3A_151 : vector<16xf32> to vector<16xf32>
          %get3A_153 = arith.index_cast %multiple_of3A_149 : i32 to index
          %get3A_154 = tpu.vector_load %arg8[%get3A_153] {strides = array<i32>} : memref<20000xf32, #tpu.memory_space<vmem>>, vector<16xf32>,
          %get3A_155 = vector.shape_cast %get3A_154 : vector<16xf32> to vector<16xf32>
          %get3A_156 = arith.index_cast %multiple_of3A_149 : i32 to index
          %get3A_157 = tpu.vector_load %arg6[%get3A_156] {strides = array<i32>} : memref<20000xf32, #tpu.memory_space<vmem>>, vector<16xf32>,
          %get3A_158 = vector.shape_cast %get3A_157 : vector<16xf32> to vector<16xf32>
          %max3A_159 = arith.constant 0.000000e+00 : f32
          %max3A_160 = vector.broadcast %max3A_159 : f32 to vector<16xf32>
          %max3A_161 = arith.maximumf %get3A_158, %max3A_160 : vector<16xf32>
          %mul3A_162 = arith.mulf %get3A_155, %max3A_161 : vector<16xf32>
          %add3A_163 = arith.addf %get3A_152, %mul3A_162 : vector<16xf32>
          %swap3A_164 = arith.index_cast %multiple_of3A_149 : i32 to index
          %swap3A_165 = tpu.vector_load %arg9[%swap3A_164] {strides = array<i32>} : memref<20000xf32, #tpu.memory_space<vmem>>, vector<16xf32>,
          %swap3A_166 = vector.shape_cast %swap3A_165 : vector<16xf32> to vector<16xf32>
          %swap3A_167 = vector.shape_cast %add3A_163 : vector<16xf32> to vector<16xf32>
          tpu.vector_store %arg9[%swap3A_164], %swap3A_167 {strides = array<i32>} : memref<20000xf32, #tpu.memory_space<vmem>>, vector<16xf32>,
          %mul3A_168 = arith.constant 80 : i32
          %mul3A_169 = arith.muli %scan3A_120, %mul3A_168 : i32
          %add3A_170 = arith.constant 10000 : i32
          %add3A_171 = arith.addi %add3A_170, %mul3A_169 : i32
          %add3A_172 = arith.constant 32 : i32
          %add3A_173 = arith.addi %add3A_171, %add3A_172 : i32
          %multiple_of3A_174 = tpu.assume_multiple %add3A_173, 16 : i32
          %get3A_175 = arith.index_cast %multiple_of3A_174 : i32 to index
          %get3A_176 = tpu.vector_load %arg7[%get3A_175] {strides = array<i32>} : memref<20000xf32, #tpu.memory_space<vmem>>, vector<16xf32>,
          %get3A_177 = vector.shape_cast %get3A_176 : vector<16xf32> to vector<16xf32>
          %get3A_178 = arith.index_cast %multiple_of3A_174 : i32 to index
          %get3A_179 = tpu.vector_load %arg8[%get3A_178] {strides = array<i32>} : memref<20000xf32, #tpu.memory_space<vmem>>, vector<16xf32>,
          %get3A_180 = vector.shape_cast %get3A_179 : vector<16xf32> to vector<16xf32>
          %get3A_181 = arith.index_cast %multiple_of3A_174 : i32 to index
          %get3A_182 = tpu.vector_load %arg6[%get3A_181] {strides = array<i32>} : memref<20000xf32, #tpu.memory_space<vmem>>, vector<16xf32>,
          %get3A_183 = vector.shape_cast %get3A_182 : vector<16xf32> to vector<16xf32>
          %max3A_184 = arith.constant 0.000000e+00 : f32
          %max3A_185 = vector.broadcast %max3A_184 : f32 to vector<16xf32>
          %max3A_186 = arith.maximumf %get3A_183, %max3A_185 : vector<16xf32>
          %mul3A_187 = arith.mulf %get3A_180, %max3A_186 : vector<16xf32>
          %add3A_188 = arith.addf %get3A_177, %mul3A_187 : vector<16xf32>
          %swap3A_189 = arith.index_cast %multiple_of3A_174 : i32 to index
          %swap3A_190 = tpu.vector_load %arg9[%swap3A_189] {strides = array<i32>} : memref<20000xf32, #tpu.memory_space<vmem>>, vector<16xf32>,
          %swap3A_191 = vector.shape_cast %swap3A_190 : vector<16xf32> to vector<16xf32>
          %swap3A_192 = vector.shape_cast %add3A_188 : vector<16xf32> to vector<16xf32>
          tpu.vector_store %arg9[%swap3A_189], %swap3A_192 {strides = array<i32>} : memref<20000xf32, #tpu.memory_space<vmem>>, vector<16xf32>,
          %mul3A_193 = arith.constant 80 : i32
          %mul3A_194 = arith.muli %scan3A_120, %mul3A_193 : i32
          %add3A_195 = arith.constant 10000 : i32
          %add3A_196 = arith.addi %add3A_195, %mul3A_194 : i32
          %add3A_197 = arith.constant 48 : i32
          %add3A_198 = arith.addi %add3A_196, %add3A_197 : i32
          %multiple_of3A_199 = tpu.assume_multiple %add3A_198, 16 : i32
          %get3A_200 = arith.index_cast %multiple_of3A_199 : i32 to index
          %get3A_201 = tpu.vector_load %arg7[%get3A_200] {strides = array<i32>} : memref<20000xf32, #tpu.memory_space<vmem>>, vector<16xf32>,
          %get3A_202 = vector.shape_cast %get3A_201 : vector<16xf32> to vector<16xf32>
          %get3A_203 = arith.index_cast %multiple_of3A_199 : i32 to index
          %get3A_204 = tpu.vector_load %arg8[%get3A_203] {strides = array<i32>} : memref<20000xf32, #tpu.memory_space<vmem>>, vector<16xf32>,
          %get3A_205 = vector.shape_cast %get3A_204 : vector<16xf32> to vector<16xf32>
          %get3A_206 = arith.index_cast %multiple_of3A_199 : i32 to index
          %get3A_207 = tpu.vector_load %arg6[%get3A_206] {strides = array<i32>} : memref<20000xf32, #tpu.memory_space<vmem>>, vector<16xf32>,
          %get3A_208 = vector.shape_cast %get3A_207 : vector<16xf32> to vector<16xf32>
          %max3A_209 = arith.constant 0.000000e+00 : f32
          %max3A_210 = vector.broadcast %max3A_209 : f32 to vector<16xf32>
          %max3A_211 = arith.maximumf %get3A_208, %max3A_210 : vector<16xf32>
          %mul3A_212 = arith.mulf %get3A_205, %max3A_211 : vector<16xf32>
          %add3A_213 = arith.addf %get3A_202, %mul3A_212 : vector<16xf32>
          %swap3A_214 = arith.index_cast %multiple_of3A_199 : i32 to index
          %swap3A_215 = tpu.vector_load %arg9[%swap3A_214] {strides = array<i32>} : memref<20000xf32, #tpu.memory_space<vmem>>, vector<16xf32>,
          %swap3A_216 = vector.shape_cast %swap3A_215 : vector<16xf32> to vector<16xf32>
          %swap3A_217 = vector.shape_cast %add3A_213 : vector<16xf32> to vector<16xf32>
          tpu.vector_store %arg9[%swap3A_214], %swap3A_217 {strides = array<i32>} : memref<20000xf32, #tpu.memory_space<vmem>>, vector<16xf32>,
          %mul3A_218 = arith.constant 80 : i32
          %mul3A_219 = arith.muli %scan3A_120, %mul3A_218 : i32
          %add3A_220 = arith.constant 10000 : i32
          %add3A_221 = arith.addi %add3A_220, %mul3A_219 : i32
          %add3A_222 = arith.constant 64 : i32
          %add3A_223 = arith.addi %add3A_221, %add3A_222 : i32
          %multiple_of3A_224 = tpu.assume_multiple %add3A_223, 16 : i32
          %get3A_225 = arith.index_cast %multiple_of3A_224 : i32 to index
          %get3A_226 = tpu.vector_load %arg7[%get3A_225] {strides = array<i32>} : memref<20000xf32, #tpu.memory_space<vmem>>, vector<16xf32>,
          %get3A_227 = vector.shape_cast %get3A_226 : vector<16xf32> to vector<16xf32>
          %get3A_228 = arith.index_cast %multiple_of3A_224 : i32 to index
          %get3A_229 = tpu.vector_load %arg8[%get3A_228] {strides = array<i32>} : memref<20000xf32, #tpu.memory_space<vmem>>, vector<16xf32>,
          %get3A_230 = vector.shape_cast %get3A_229 : vector<16xf32> to vector<16xf32>
          %get3A_231 = arith.index_cast %multiple_of3A_224 : i32 to index
          %get3A_232 = tpu.vector_load %arg6[%get3A_231] {strides = array<i32>} : memref<20000xf32, #tpu.memory_space<vmem>>, vector<16xf32>,
          %get3A_233 = vector.shape_cast %get3A_232 : vector<16xf32> to vector<16xf32>
          %max3A_234 = arith.constant 0.000000e+00 : f32
          %max3A_235 = vector.broadcast %max3A_234 : f32 to vector<16xf32>
          %max3A_236 = arith.maximumf %get3A_233, %max3A_235 : vector<16xf32>
          %mul3A_237 = arith.mulf %get3A_230, %max3A_236 : vector<16xf32>
          %add3A_238 = arith.addf %get3A_227, %mul3A_237 : vector<16xf32>
          %swap3A_239 = arith.index_cast %multiple_of3A_224 : i32 to index
          %swap3A_240 = tpu.vector_load %arg9[%swap3A_239] {strides = array<i32>} : memref<20000xf32, #tpu.memory_space<vmem>>, vector<16xf32>,
          %swap3A_241 = vector.shape_cast %swap3A_240 : vector<16xf32> to vector<16xf32>
          %swap3A_242 = vector.shape_cast %add3A_238 : vector<16xf32> to vector<16xf32>
          tpu.vector_store %arg9[%swap3A_239], %swap3A_242 {strides = array<i32>} : memref<20000xf32, #tpu.memory_space<vmem>>, vector<16xf32>,
          %scan3A_243 = arith.constant 0 : i32
          scf.yield %scan3A_243 : i32
        }
        %scan3A_119 = arith.constant 125 : i32
      } else {
      }
      %mul3A_101 = arith.constant 10000 : i32
      %mul3A_102 = arith.muli %rem3A_60, %mul3A_101 : i32
      %mul3A_103 = arith.constant 10000 : i32
      %mul3A_104 = arith.muli %scan3A_58, %mul3A_103 : i32
      %add3A_105 = arith.addi %mul3A_2, %mul3A_104 : i32
      %dma_start3A_106 = tpu.memref_slice %arg9[%mul3A_102] : memref<20000xf32, #tpu.memory_space<vmem>> -> memref<10000xf32, #tpu.memory_space<vmem>>
      %dma_start3A_107 = tpu.memref_slice %arg5[%add3A_105] : memref<1600000xf32, #tpu.memory_space<hbm>> -> memref<10000xf32, #tpu.memory_space<hbm>>
      %dma_start3A_108 = tpu.memref_slice %arg11[%rem3A_60] : memref<2x!tpu.dma_semaphore, #tpu.memory_space<semaphore_mem>> -> memref<1x!tpu.dma_semaphore, #tpu.memory_space<semaphore_mem>>
      %dma_start3A_109 = tpu.memref_squeeze %dma_start3A_108 : memref<1x!tpu.dma_semaphore, #tpu.memory_space<semaphore_mem>> -> memref<!tpu.dma_semaphore, #tpu.memory_space<semaphore_mem>>
      %dma_start3A_110 = tpu.memref_slice %arg5[%add3A_105] : memref<1600000xf32, #tpu.memory_space<hbm>> -> memref<10000xf32, #tpu.memory_space<hbm>>
      %dma_start3A_111 = tpu.memref_slice %arg9[%mul3A_102] : memref<20000xf32, #tpu.memory_space<vmem>> -> memref<10000xf32, #tpu.memory_space<vmem>>
      tpu.enqueue_dma source(%dma_start3A_111 : memref<10000xf32, #tpu.memory_space<vmem>>) target(%dma_start3A_110 : memref<10000xf32, #tpu.memory_space<hbm>>) target_semaphore(%dma_start3A_109 : memref<!tpu.dma_semaphore, #tpu.memory_space<semaphore_mem>>)
      %scan3A_112 = arith.constant 0 : i32
      scf.yield %scan3A_112 : i32
    }
    %scan3A_36 = arith.constant 5 : i32
    %add3A_37 = arith.constant 30000 : i32
    %add3A_38 = arith.addi %mul3A_2, %add3A_37 : i32
    %dma_wait3A = arith.constant 1 : i32
    %dma_wait3A_39 = arith.constant 10000 : i32
    %dma_wait3A_40 = tpu.memref_slice %arg9[%dma_wait3A_39] : memref<20000xf32, #tpu.memory_space<vmem>> -> memref<10000xf32, #tpu.memory_space<vmem>>
    %dma_wait3A_41 = tpu.memref_slice %arg5[%add3A_38] : memref<1600000xf32, #tpu.memory_space<hbm>> -> memref<10000xf32, #tpu.memory_space<hbm>>
    %dma_wait3A_42 = tpu.memref_slice %arg11[%dma_wait3A] : memref<2x!tpu.dma_semaphore, #tpu.memory_space<semaphore_mem>> -> memref<1x!tpu.dma_semaphore, #tpu.memory_space<semaphore_mem>>
    %dma_wait3A_43 = tpu.memref_squeeze %dma_wait3A_42 : memref<1x!tpu.dma_semaphore, #tpu.memory_space<semaphore_mem>> -> memref<!tpu.dma_semaphore, #tpu.memory_space<semaphore_mem>>
    %dma_wait3A_44 = tpu.memref_slice %arg5[%add3A_38] : memref<1600000xf32, #tpu.memory_space<hbm>> -> memref<10000xf32, #tpu.memory_space<hbm>>
    %dma_wait3A_45 = arith.constant 10000 : i32
    %dma_wait3A_46 = tpu.memref_slice %arg9[%dma_wait3A_45] : memref<20000xf32, #tpu.memory_space<vmem>> -> memref<10000xf32, #tpu.memory_space<vmem>>
    tpu.wait_dma2 semaphore(%dma_wait3A_43 : memref<!tpu.dma_semaphore, #tpu.memory_space<semaphore_mem>>) src(%dma_wait3A_46 : memref<10000xf32, #tpu.memory_space<vmem>>) dst(%dma_wait3A_44 : memref<10000xf32, #tpu.memory_space<hbm>>)
    %add3A_47 = arith.constant 40000 : i32
    %add3A_48 = arith.addi %mul3A_2, %add3A_47 : i32
    %dma_wait3A_49 = arith.constant 0 : i32
    %dma_wait3A_50 = arith.constant 0 : i32
    %dma_wait3A_51 = tpu.memref_slice %arg9[%dma_wait3A_50] : memref<20000xf32, #tpu.memory_space<vmem>> -> memref<10000xf32, #tpu.memory_space<vmem>>
    %dma_wait3A_52 = tpu.memref_slice %arg5[%add3A_48] : memref<1600000xf32, #tpu.memory_space<hbm>> -> memref<10000xf32, #tpu.memory_space<hbm>>
    %dma_wait3A_53 = tpu.memref_slice %arg11[%dma_wait3A_49] : memref<2x!tpu.dma_semaphore, #tpu.memory_space<semaphore_mem>> -> memref<1x!tpu.dma_semaphore, #tpu.memory_space<semaphore_mem>>
    %dma_wait3A_54 = tpu.memref_squeeze %dma_wait3A_53 : memref<1x!tpu.dma_semaphore, #tpu.memory_space<semaphore_mem>> -> memref<!tpu.dma_semaphore, #tpu.memory_space<semaphore_mem>>
    %dma_wait3A_55 = tpu.memref_slice %arg5[%add3A_48] : memref<1600000xf32, #tpu.memory_space<hbm>> -> memref<10000xf32, #tpu.memory_space<hbm>>
    %dma_wait3A_56 = arith.constant 0 : i32
    %dma_wait3A_57 = tpu.memref_slice %arg9[%dma_wait3A_56] : memref<20000xf32, #tpu.memory_space<vmem>> -> memref<10000xf32, #tpu.memory_space<vmem>>
    tpu.wait_dma2 semaphore(%dma_wait3A_54 : memref<!tpu.dma_semaphore, #tpu.memory_space<semaphore_mem>>) src(%dma_wait3A_57 : memref<10000xf32, #tpu.memory_space<vmem>>) dst(%dma_wait3A_55 : memref<10000xf32, #tpu.memory_space<hbm>>)
    return
  }
}

</mosaic_0001>

<sc_bundles>
// kernel: kernel.3.cloned.1.call-start
scs
__scs_entry_jumppad:
0x0: {  	(pc) =	sbr.rel $0x88, $3  }
0x1: {  	(tag) =	ssettag $0x0;
	lr =	simm.s32 $0x1  }
0x2: {  	[smem:$0x3F9E] =	sst lr;
	_ =	strace $0xD0000000  }
0x3: {  	_ = 	snop  }
0x4: {  	_ = 	snop  }
0x5: {  	_ = 	snop  }
0x6: {  	_ = 	snop  }
0x7: {  	_ = 	snop  }
__scs_overlays_trampoline_lowered:
0x8: {  	[smem:$0x3FAD] =	sst s0  }
0x9: {  	[smem:$0x3FAE] =	sst s1  }
0xa: {  	[smem:$0x3FAF] =	sst s2  }
0xb: {  	[smem:$0x3FB0] =	sst s3  }
0xc: {  	[smem:$0x3FB1] =	sst s4  }
0xd: {  	[smem:$0x3FB2] =	sst s5  }
0xe: {  	[smem:$0x3FB3] =	sst s6  }
0xf: {  	[smem:$0x3FB4] =	sst s7  }
0x10: {  	[smem:$0x3FB5] =	sst s8  }
0x11: {  	[smem:$0x3FB6] =	sst s9;
	s0 =	simm.s32 @!p0 $0x0  }
0x12: {  	s1 =	sld [smem:$0x3F9C];
	s0 =	simm.s32 @p0 $0x1  }
0x13: {  	[smem:$0x3FB7] =	sst s0;
	s0 =	simm.s32 @!p1 $0x0  }
0x14: {  	s2 =	sld [smem:$0x3F9B];
	s0 =	simm.s32 @p1 $0x1  }
0x15: {  	[smem:$0x3FB8] =	sst s0;
	s0 =	simm.s32 @!p2 $0x0  }
0x16: {  	s3 =	sld [smem:$0x3FDB];
	s0 =	simm.s32 @p2 $0x1  }
0x17: {  	s4 =	simm.s32 $0x1BF5;
	[smem:$0x3FBA] =	sst s0  }
0x18: {  	s0 =	sld [smem:$0x3F9D];
	_ =	swait.ge [sflag:s4], $0x0  }
0x19: {  	s7 =	sld [smem:$0x3F9E]  }
0x1a: {  	s8 =	sadd.s32 $0xFFFFE003, lr  }
0x1b: {  	s9 =	sadd.s32 $0xFFFFFEF7, lr;
	s5 =	simm.s32 $0xFFFFFFFF;
	p2 =	slt.u32 s8, $0xFFFFF086  }
0x1c: {  	p1 =	slt.u32 s9, $0xF7A;
	s5 =	simm.s32 @!p2 $0x0  }
0x1d: {  	s5 =	simm.s32 @p1 $0x1;
	p0 =	seq.s32 s7, s2  }
0x1e: {  	s7 =	smul.u32 @!p0 $0xF7A, s2;
	p2 =	seq.s32 @!p0 s5, $0x0  }
0x1f: {  	s9 =	smul.u32 $0xF7A, s1;
	s8 =	simm.s32 @!p0 $0x1BF5;
	p2 =	por !p2, p0  }
0x20: {  	[sflag:s8] =	ssyncset.s32 @!p0 $0xFFFFF086;
	s6 =	sadd.s32 @!p0 s3, s7;
	s7 =	simm.s32 @!p0 $0x108  }
0x21: {  	s3 =	sadd.s32 s3, s9;
	s6 =	sadd.s32 @!p0 $0x88, s6;
	s7 =	simm.s32 @p2 $0x1082  }
0x22: {  	[simem:s7], [sflag:s8] =	dma.local @!p0 [hbm:s6], $0xF7A  }
0x23: {  	s9 =	sor.u32 $0xD0000000, s2;
	s6 =	simm.s32 $0x108;
	_ =	swait.ge @!p0 [sflag:s8], $0x0  }
0x24: {  	s3 =	sadd.s32 $0x88, s3;
	s6 =	simm.s32 @!p1 $0x1082;
	[sflag:s4] =	ssyncset.s32 $0xFFFFF086  }
0x25: {  	[simem:s6], [sflag:s4] =	dma.local [hbm:s3], $0xF7A  }
0x26: {  	[smem:$0x3F9E] =	sst s1;
	(tag) =	ssettag s2;
	_ =	strace s9  }
0x27: {  	s1 =	sld [smem:$0x3FAE]  }
0x28: {  	s2 =	sld [smem:$0x3FAF]  }
0x29: {  	s4 =	sld [smem:$0x3FB1]  }
0x2a: {  	p0 =	seq.s32 s5, $0x0;
	s5 =	sld [smem:$0x3FB2]  }
0x2b: {  	s6 =	sld [smem:$0x3FB3]  }
0x2c: {  	s7 =	sld [smem:$0x3FB4]  }
0x2d: {  	s3 =	simm.s32 $0x108;
	s8 =	sld [smem:$0x3FB5]  }
0x2e: {  	s3 =	simm.s32 @!p0 $0x1082;
	s9 =	sld [smem:$0x3FB6]  }
0x2f: {  	lr =	sadd.s32 s0, s3;
	s0 =	sld [smem:$0x3FAD]  }
0x30: {  	s3 =	sld [smem:$0x3FB0]  }
0x31: {  	[smem:$0x3FB9] =	sst s10  }
0x32: {  	s10 =	sld [smem:$0x3FB7];
	_ =	sdelay $0x3  }
0x33: {  	p0 =	seq.s32 s10, $0x1;
	s10 =	sld [smem:$0x3FB9];
	_ =	sdelay $0x3  }
0x34: {  	[smem:$0x3FB9] =	sst s10  }
0x35: {  	s10 =	sld [smem:$0x3FB8];
	_ =	sdelay $0x3  }
0x36: {  	p1 =	seq.s32 s10, $0x1;
	s10 =	sld [smem:$0x3FB9];
	_ =	sdelay $0x3  }
0x37: {  	[smem:$0x3FB9] =	sst s10  }
0x38: {  	s10 =	sld [smem:$0x3FBA]  }
0x39: {  	_ = 	snop;
	(pc) =	sbr.ind lr, $3  }
0x3a: {  	_ = 	snop  }
0x3b: {  	_ = 	snop  }
0x3c: {  	p2 =	seq.s32 s10, $0x1;
	s10 =	sld [smem:$0x3FB9]  }
0x3d: {  	_ =	shalt  }
0x3e: {  	_ =	shalt  }
0x3f: {  	_ =	shalt  }
0x40: {  	_ =	shalt  }
0x41: {  	_ =	shalt  }
0x42: {  	_ =	shalt  }
0x43: {  	_ =	shalt  }
0x44: {  	_ =	shalt  }
0x45: {  	_ =	shalt  }
0x46: {  	_ =	shalt  }
0x47: {  	_ =	shalt  }
0x48: {  	_ =	shalt  }
0x49: {  	_ =	shalt  }
0x4a: {  	_ =	shalt  }
0x4b: {  	_ =	shalt  }
0x4c: {  	_ =	shalt  }
0x4d: {  	_ =	shalt  }
0x4e: {  	_ =	shalt  }
0x4f: {  	_ =	shalt  }
0x50: {  	_ =	shalt  }
0x51: {  	_ =	shalt  }
0x52: {  	_ =	shalt  }
0x53: {  	_ =	shalt  }
0x54: {  	_ =	shalt  }
0x55: {  	_ =	shalt  }
0x56: {  	_ =	shalt  }
0x57: {  	_ =	shalt  }
0x58: {  	_ =	shalt  }
0x59: {  	_ =	shalt  }
0x5a: {  	_ =	shalt  }
0x5b: {  	_ =	shalt  }
0x5c: {  	_ =	shalt  }
0x5d: {  	_ =	shalt  }
0x5e: {  	_ =	shalt  }
0x5f: {  	_ =	shalt  }
0x60: {  	_ =	shalt  }
0x61: {  	_ =	shalt  }
0x62: {  	_ =	shalt  }
0x63: {  	_ =	shalt  }
0x64: {  	_ =	shalt  }
0x65: {  	_ =	shalt  }
0x66: {  	_ =	shalt  }
0x67: {  	_ =	shalt  }
0x68: {  	_ =	shalt  }
0x69: {  	_ =	shalt  }
0x6a: {  	_ =	shalt  }
0x6b: {  	_ =	shalt  }
0x6c: {  	_ =	shalt  }
0x6d: {  	_ =	shalt  }
0x6e: {  	_ =	shalt  }
0x6f: {  	_ =	shalt  }
0x70: {  	_ =	shalt  }
0x71: {  	_ =	shalt  }
0x72: {  	_ =	shalt  }
0x73: {  	_ =	shalt  }
0x74: {  	_ =	shalt  }
0x75: {  	_ =	shalt  }
0x76: {  	_ =	shalt  }
0x77: {  	_ =	shalt  }
0x78: {  	_ =	shalt  }
0x79: {  	_ =	shalt  }
0x7a: {  	_ =	shalt  }
0x7b: {  	_ =	shalt  }
0x7c: {  	_ =	shalt  }
0x7d: {  	_ =	shalt  }
0x7e: {  	_ =	shalt  }
0x7f: {  	_ =	shalt  }
0x80: {  	_ =	shalt  }
0x81: {  	_ =	shalt  }
0x82: {  	_ =	shalt  }
0x83: {  	_ =	shalt  }
0x84: {  	_ =	shalt  }
0x85: {  	_ =	shalt  }
0x86: {  	_ =	shalt  }
0x87: {  	_ =	shalt  }
.Lfunc_end0:
.L_simem_size_0:
called_computation_lowered:
.L_overlay_start_0:
0x88: {  	s2 =	sld [smem:$0x3FD9]  }
0x89: {  	s3 =	sld [smem:$0x3FFE];
	_ =	sdelay $0x1  }
0x8a: {  	s1 =	srdreg.scid  }
0x8b: {  	s0 =	sand.u32 $0x1, s1  }
0x8c: {  	s18 =	sshll.u32 s0, $0xA;
	s2 =	sadd.s32 s3, s2  }
0x8d: {  	s2 =	sadd.s32 s2, s18  }
0x8e: {  	[smem:$0x3FC5] =	sst s2  }
0x8f: {  	_ = 	snop  }
0x90: {  	s2 =	sld [smem:$0x3FC9]  }
0x91: {  	s19 =	sld [smem:$0x3FC8]  }
0x92: {  	s4 =	sld [smem:$0x3FC7]  }
0x93: {  	s5 =	sld [smem:$0x3FD0];
	(tm) =	ssettm $0x1  }
0x94: {  	s6 =	sld [smem:$0x3FFB];
	_ =	sdelay $0x3  }
0x95: {  	_ =	strace s6  }
0x96: {  	s6 =	sld [smem:$0x3FFC];
	_ =	sdelay $0x3  }
0x97: {  	_ =	strace s6  }
0x98: {  	s6 =	sld [smem:$0x3FFD];
	_ =	sdelay $0x3  }
0x99: {  	_ =	strace s6  }
0x9a: {  	_ =	strace $0x8FFFFFFF  }
0x9b: {  	s20 =	sld [smem:$0x3FDB];
	_ =	sdelay $0x1  }
0x9c: {  	s7 =	simm.s32 $_scs_section_size  }
0x9d: {  	s8 =	simm.s32 $_size__tile_overlayer_lowered;
	s9 =	simm.s32 $_tile_overlayer_lowered  }
0x9e: {  	s23 =	simm.s32 $0x1BFF;
	s22 =	sshll.u32 s9, $0x1;
	s6 =	sadd.s32 s7, s20  }
0x9f: {  	s10 =	simm.s32 $0x0;
	s21 =	sshll.u32 s8, $0x1;
	s8 =	sadd.s32 s22, s6  }
0xa0: {  	[timem:s10], [sflag:s23] =	dma.local [hbm:s8], s21  }
0xa1: {  	_ =	swait.ge [sflag:s23], s21  }
0xa2: {  	s7 =	ssub.s32 $0x0, s21;
	[sflag:s23] =	ssyncset.done $0x0  }
0xa3: {  	[sflag:s23] =	ssyncadd.s32 s7;
	_ =	sdelay $0x1  }
0xa4: {  	s24 =	simm.s32 $0x1B8B  }
0xa5: {  	_ =	swait.ge [sflag:s24], $0x1  }
0xa6: {  	[sflag:s24] =	ssyncset.done $0x0  }
0xa7: {  	s25 =	simm.s32 $0x1B8E;
	[sflag:s24] =	ssyncadd.s32 $0xFFFFFFFF  }
0xa8: {  	s26 =	simm.s32 $execute0_lowered;
	[smem:$0x3FD2] =	sst s25  }
0xa9: {  	s7 =	sshll.u32 s26, $0x1;
	_ =	strace $0x80000046;
	[dreg:$0x1] =	wrdreg $0xFFFFFFFF  }
0xaa: {  	s28 =	simm.s32 $_size_execute0_lowered;
	s6 =	sadd.s32 s6, s7;
	[dreg:$0x0] =	wrdreg $0x0  }
0xab: {  	s7 =	sshll.u32 s28, $0x1;
	[dreg:$0x2] =	wrdreg s6  }
0xac: {  	[dreg:$0x3] =	wrdreg s7  }
0xad: {  	[dreg:$0x4] =	wrdreg $0xC0  }
0xae: {  	_ =	task [dreg:s10], $0x5FFFF  }
0xaf: {  	[dreg:$0x1] =	wrdreg $0xFFFFFFFF  }
0xb0: {  	[dreg:$0x0] =	wrdreg $0x60  }
0xb1: {  	[dreg:$0x2] =	wrdreg s2  }
0xb2: {  	[dreg:$0x3] =	wrdreg s19  }
0xb3: {  	[dreg:$0x4] =	wrdreg s4  }
0xb4: {  	[dreg:$0x5] =	wrdreg s5  }
0xb5: {  	[dreg:$0x6] =	wrdreg $0x9  }
0xb6: {  	_ =	task.clear_ibuf [dreg:s10], $0x7FFFF;
	_ =	strace $0x90000046  }
0xb7: {  	s29 =	simm.s32 $0x9;
	_ =	strace $0x80000048  }
0xb8: {  	_ =	swait.ge [sflag:s29], $0x1  }
0xb9: {  	[sflag:s29] =	ssyncadd.s32 $0xFFFFFFFF  }
0xba: {  	_ =	strace $0x90000048  }
0xbb: {  	_ =	sfence  }
0xbc: {  	s30 =	sld [smem:$0x0];
	_ =	sdelay $0x2  }
0xbd: {  	s31 =	sshll.u32 s1, $0xD;
	s1 =	sshrl.u32 s1, $0x2  }
0xbe: {  	s3 =	sand.u32 $0x4000, s31;
	s1 =	sadd.s32 s1, s30  }
0xbf: {  	s0 =	sor.u32 s3, s0;
	s1 =	sshll.u32 s1, $0x11  }
0xc0: {  	s0 =	sor.u32 s1, s0  }
0xc1: {  	s0 =	sadd.s32 $0x8F2B, s0  }
0xc2: {  	[sflag:s0] =	ssyncadd.remote.s32 $0x1  }
0xc3: {  	_ =	sfence.sel $0xFFFF  }
0xc4: {  	[dreg:$0x0] =	wrdreg $0xFFFFFFFF;
	(pc) =	sbr.abs _section_cstart, $3  }
0xc5: {  	[dreg:$0x1] =	wrdreg $0xFFFFFFFF  }
0xc6: {  	_ =	task.clear_ibuf [dreg:s10], $0x2FFFF;
	_ =	strace $0x9FFFFFFF  }
0xc7: {  	(tm) =	ssettm $0x7FFFFFFF  }
tec
execute0_lowered:
.L_overlay_start_1:
0x0: {  	(tag) =	ssettag $0x1  }
0x1: {  	s1 =	rddreg [dreg:$0x0]  }
0x2: {  	s2 =	rddreg [dreg:$0x1]  }
0x3: {  	s4 =	rddreg [dreg:$0x2];
	s3 =	srdreg.scid  }
0x4: {  	s0 =	stileid.u32;
	s5 =	rddreg [dreg:$0x3];
	s12 =	simm.s32 $0x4E80  }
0x5: {  	s13 =	simm.s32 $0x9D00;
	s14 =	simm.s32 $0x4;
	s15 =	simm.s32 $0x3  }
0x6: {  	s7 =	sand.u32 $0x1, s3;
	s6 =	sshll.u32 s0, $0x1;
	s3 =	rddreg [dreg:$0x4]  }
.Ltmp0:
0x7: {  	s8 =	sor.u32 s7, s6;
	s9 =	ssub.s32 $0x2, s7;
	(pc) =	sbr.rel .LBB2_1-.Ltmp0, $4  }
0x8: {  	s6 =	simm.s32 $0x0;
	s7 =	smul.u32 $0xC350, s8;
	s31 =	sshrl.u32 s9, $0x1  }
0x9: {  	s16 =	simm.s32 $0x0;
	[smem:$0x7FF] =	sst s6;
	s11 =	ssub.s32 s9, s31  }
0xa: {  	_ =	strace $0x80000047;
	s10 =	sshrl.u32 s7, $0x3;
	s11 =	smax.u32 s11, $0x1  }
0xb: {  	s8 =	sadd.s32 s1, s10;
	s9 =	sadd.s32 s2, s10;
	s10 =	sadd.s32 s4, s10  }
.LBB2_10:
0xc: {  	s16 =	sadd.s32 $0x1, s16  }
0xd: {  	_ =	swait.ge [sflag:s14], $0x2710;
	p0 =	sne.s32 s16, s11  }
.Ltmp1:
0xe: {  	[sflag:s14] =	ssyncset.done $0x0;
	(pc) =	sbr.rel @!p0 .LBB2_11-.Ltmp1, $4  }
0xf: {  	[sflag:s14] =	ssyncadd.s32 $0xFFFFD8F0  }
0x10: {  	_ =	swait.ge [sflag:s15], $0x2710  }
0x11: {  	[sflag:s15] =	ssyncset.done $0x0  }
0x12: {  	[sflag:s15] =	ssyncadd.s32 $0xFFFFD8F0  }
.LBB2_1:
0x13: {  	[tilespmem:s6], [sflag:$0x1] =	stream.linear.gather [hbm4b:s8+s6], $0x2710, $0x38;
	[tilespmem:$0x13A00] =	vst v63  }
.Ltmp2:
0x14: {  	_ = 	snop;
	(pc) =	sbr.rel .LBB2_2-.Ltmp2, $4  }
0x15: {  	_ = 	snop  }
0x16: {  	[tilespmem:s12], [sflag:$0x1] =	stream.linear.gather [hbm4b:s9+s6], $0x2710, $0x38;
	[tilespmem:$0x13A00] =	vst v63  }
0x17: {  	s18 =	simm.s32 $0x0  }
0x18: {  	[tilespmem:s13], [sflag:$0x1] =	stream.linear.gather [hbm4b:s10+s6], $0x2710, $0x38;
	[tilespmem:$0x13A00] =	vst v63  }
.LBB2_5:
0x19: {  	v9 =	vld [tilespmem:s21+$0x40]  }
0x1a: {  	v10 =	vld [tilespmem:s21+$0x9D40];
	v2 =	vadd.f32 v7, v2  }
0x1b: {  	v52 =	vld [tilespmem:s21+$0x0];
	v3 =	vadd.f32 v6, v3;
	v0 =	vmul.f32 v5, v0  }
0x1c: {  	v11 =	vld [tilespmem:s21+$0x4EC0];
	v1 =	vadd.f32 v8, v1;
	[tilespmem:s20+$0xEB80] =	vst v2  }
0x1d: {  	v0 =	vadd.f32 v0, v4;
	v2 =	vld [tilespmem:s21+$0x10];
	[tilespmem:s20+$0xEB90] =	vst v3  }
0x1e: {  	v3 =	vld [tilespmem:s21+$0x20];
	[tilespmem:s20+$0xEBA0] =	vst v1  }
0x1f: {  	v1 =	vld [tilespmem:s21+$0x30];
	[tilespmem:s20+$0xEBB0] =	vst v0  }
0x20: {  	v55 =	vld [tilespmem:s21+$0x9D00]  }
0x21: {  	v56 =	vld [tilespmem:s21+$0x9D10]  }
0x22: {  	v57 =	vld [tilespmem:s21+$0x9D20]  }
0x23: {  	v58 =	vld [tilespmem:s21+$0x9D30]  }
0x24: {  	v53 =	vmax.f32 v9, $0.0e+00;
	v59 =	vld [tilespmem:s21+$0x4E80]  }
0x25: {  	v54 =	vmul.f32 v53, v10;
	v60 =	vld [tilespmem:s21+$0x4E90]  }
0x26: {  	v7 =	vmax.f32 v52, $0.0e+00;
	v61 =	vld [tilespmem:s21+$0x4EA0]  }
0x27: {  	v62 =	vld [tilespmem:s21+$0x4EB0];
	v0 =	vadd.f32 v54, v11;
	v2 =	vmax.f32 v2, $0.0e+00;
	v4 =	vmul.f32 v7, v55  }
0x28: {  	v3 =	vmax.f32 v3, $0.0e+00;
	v2 =	vmul.f32 v2, v56  }
0x29: {  	[tilespmem:s21+$0xEBC0] =	vst v0;
	v1 =	vmax.f32 v1, $0.0e+00;
	v3 =	vmul.f32 v3, v57;
	v0 =	vadd.f32 v4, v59  }
0x2a: {  	v1 =	vmul.f32 v1, v58;
	v2 =	vadd.f32 v2, v60  }
0x2b: {  	v63 =	vadd.f32 v3, v61;
	[tilespmem:s21+$0xEB80] =	vst v0  }
0x2c: {  	v1 =	vadd.f32 v1, v62;
	[tilespmem:s21+$0xEB90] =	vst v2  }
0x2d: {  	[tilespmem:s21+$0xEBA0] =	vst v63  }
0x2e: {  	[tilespmem:s21+$0xEBB0] =	vst v1  }
.LBB2_9:
0x2f: {  	s18 =	smul.u32 $0x2710, s18  }
0x30: {  	s20 =	smul.u32 $0x9C40, s19;
	p0 =	sne.s32 s17, $0x5  }
.Ltmp3:
0x31: {  	s18 =	sadd.s32 s7, s18;
	(pc) =	sbr.rel @!p0 .LBB2_10-.Ltmp3, $4  }
0x32: {  	s20 =	sshrl.u32 s20, $0x2;
	s18 =	sshrl.u32 s18, $0x3  }
0x33: {  	s31 =	sadd.s32 $0x3, s19;
	s20 =	sadd.s32 $0xEB80, s20;
	s18 =	sadd.s32 s5, s18  }
0x34: {  	[hbm4b:s18+s6] =	stream.linear.scatter [tilespmem:s20], [sflag:s31], $0x2710, $0x38;
	[tilespmem:$0x13A00] =	vst v63  }
0x35: {  	s18 =	smov.u32 s17  }
.LBB2_2:
0x36: {  	s17 =	sadd.s32 $0x1, s18;
	p0 =	seq.s32 s18, $0x4  }
0x37: {  	s20 =	smul.u32 @!p0 $0x2710, s17  }
0x38: {  	s19 =	sand.u32 $0x1, s18  }
0x39: {  	s21 =	sxor.u32 @!p0 $0x1, s19;
	s20 =	sadd.s32 @!p0 s7, s20  }
0x3a: {  	s22 =	smul.u32 @!p0 $0x2710, s21;
	s20 =	sshrl.u32 @!p0 s20, $0x3  }
0x3b: {  	s24 =	simm.s32 @!p0 $0x0;
	s21 =	sadd.s32 @!p0 $0x1, s21;
	s23 =	sadd.s32 @!p0 s1, s20  }
0x3c: {  	[tilespmem:s22], [sflag:s21] =	stream.linear.gather @!p0 [hbm4b:s23+s24], $0x2710, $0x38;
	[tilespmem:$0x13A00] =	vst v63  }
0x3d: {  	s25 =	sadd.s32 @!p0 s2, s20;
	s23 =	sadd.s32 @!p0 $0x4E80, s22  }
0x3e: {  	[tilespmem:s23], [sflag:s21] =	stream.linear.gather @!p0 [hbm4b:s25+s24], $0x2710, $0x38;
	[tilespmem:$0x13A00] =	vst v63  }
0x3f: {  	s31 =	sadd.s32 $0x1, s19;
	s20 =	sadd.s32 @!p0 s4, s20;
	s22 =	sadd.s32 @!p0 $0x9D00, s22  }
0x40: {  	[tilespmem:s22], [sflag:s21] =	stream.linear.gather @!p0 [hbm4b:s20+s24], $0x2710, $0x38;
	[tilespmem:$0x13A00] =	vst v63  }
0x41: {  	_ =	swait.ge [sflag:s31], $0x2710  }
0x42: {  	[sflag:s31] =	ssyncset.done $0x0  }
0x43: {  	[sflag:s31] =	ssyncadd.s32 $0xFFFFD8F0  }
0x44: {  	_ =	swait.ge [sflag:s31], $0x2710  }
0x45: {  	[sflag:s31] =	ssyncset.done $0x0  }
0x46: {  	[sflag:s31] =	ssyncadd.s32 $0xFFFFD8F0  }
0x47: {  	p1 =	seq.s32 s19, $0x1;
	_ =	swait.ge [sflag:s31], $0x2710  }
.Ltmp4:
0x48: {  	p0 =	slt.u32 s18, $0x2;
	[sflag:s31] =	ssyncset.done $0x0;
	(pc) =	sbr.rel @!p1 .LBB2_3-.Ltmp4, $4  }
0x49: {  	s20 =	sadd.s32 @!p0 $0x3, s19;
	[sflag:s31] =	ssyncadd.s32 $0xFFFFD8F0  }
0x4a: {  	_ =	swait.ge @!p0 [sflag:s20], $0x2710  }
0x4b: {  	[sflag:s20] =	ssyncset.done @!p0 $0x0  }
0x4c: {  	[sflag:s20] =	ssyncadd.s32 @!p0 $0xFFFFD8F0;
	s20 =	simm.s32 $0x0  }
0x4d: {  	v0 =	vld [tilespmem:s20+$0x2750]  }
0x4e: {  	v1 =	vld [tilespmem:s20+$0xC450]  }
0x4f: {  	v3 =	vld [tilespmem:s20+$0x2710]  }
0x50: {  	v2 =	vld [tilespmem:s20+$0x75D0]  }
0x51: {  	v4 =	vld [tilespmem:s20+$0x2720]  }
0x52: {  	v5 =	vld [tilespmem:s20+$0x2730]  }
0x53: {  	v8 =	vld [tilespmem:s20+$0x2740];
	v0 =	vmax.f32 v0, $0.0e+00  }
0x54: {  	v6 =	vld [tilespmem:s20+$0xC420];
	v0 =	vmul.f32 v0, v1  }
0x55: {  	v1 =	vld [tilespmem:s20+$0xC410]  }
0x56: {  	v9 =	vld [tilespmem:s20+$0xC430];
	v2 =	vadd.f32 v0, v2  }
0x57: {  	v0 =	vld [tilespmem:s20+$0xC440]  }
0x58: {  	[tilespmem:s20+$0x112D0] =	vst v2;
	v2 =	vld [tilespmem:s20+$0x7590]  }
0x59: {  	v7 =	vmax.f32 v3, $0.0e+00;
	v3 =	vld [tilespmem:s20+$0x75A0]  }
0x5a: {  	v4 =	vmax.f32 v4, $0.0e+00;
	v10 =	vmax.f32 v5, $0.0e+00;
	v7 =	vmul.f32 v7, v1;
	v1 =	vld [tilespmem:s20+$0x75B0]  }
0x5b: {  	s21 =	simm.s32 $0x50;
	s22 =	simm.s32 $0x280;
	v5 =	vmax.f32 v8, $0.0e+00;
	v6 =	vmul.f32 v4, v6;
	v8 =	vmul.f32 v10, v9;
	v4 =	vld [tilespmem:s20+$0x75C0]  }
.LBB2_7:
0x5c: {  	p0 =	sne.s32 s22, $0x9B00;
	v9 =	vld [tilespmem:s21+$0x2750];
	v0 =	vmul.f32 v5, v0  }
0x5d: {  	v5 =	vld [tilespmem:s21+$0xC450];
	v2 =	vadd.f32 v7, v2  }
0x5e: {  	v7 =	vld [tilespmem:s21+$0x2710];
	v3 =	vadd.f32 v6, v3  }
0x5f: {  	v6 =	vld [tilespmem:s21+$0x75D0];
	[tilespmem:s20+$0x11290] =	vst v2;
	v1 =	vadd.f32 v8, v1  }
0x60: {  	v2 =	vld [tilespmem:s21+$0x2720];
	[tilespmem:s20+$0x112A0] =	vst v3;
	v0 =	vadd.f32 v0, v4  }
0x61: {  	v3 =	vld [tilespmem:s21+$0x2730];
	v4 =	vmax.f32 v9, $0.0e+00;
	[tilespmem:s20+$0x112B0] =	vst v1  }
0x62: {  	v1 =	vld [tilespmem:s21+$0x2740];
	v4 =	vmul.f32 v4, v5;
	[tilespmem:s20+$0x112C0] =	vst v0;
	s20 =	smov.u32 s21  }
0x63: {  	v8 =	vld [tilespmem:s20+$0xC410];
	v7 =	vmax.f32 v7, $0.0e+00  }
0x64: {  	v9 =	vld [tilespmem:s20+$0xC420];
	v4 =	vadd.f32 v4, v6  }
0x65: {  	v6 =	vmax.f32 v2, $0.0e+00;
	v10 =	vld [tilespmem:s20+$0xC430]  }
.Ltmp5:
0x66: {  	v11 =	vmax.f32 v3, $0.0e+00;
	v0 =	vld [tilespmem:s20+$0xC440];
	[tilespmem:s20+$0x112D0] =	vst v4;
	(pc) =	sbr.rel @p0 .LBB2_7-.Ltmp5, $4  }
0x67: {  	v2 =	vld [tilespmem:s20+$0x7590];
	v5 =	vmax.f32 v1, $0.0e+00  }
0x68: {  	v7 =	vmul.f32 v7, v8;
	v3 =	vld [tilespmem:s20+$0x75A0]  }
0x69: {  	v6 =	vmul.f32 v6, v9;
	v1 =	vld [tilespmem:s20+$0x75B0]  }
0x6a: {  	s21 =	sshra.s32 s22, $0x2;
	s22 =	sadd.s32 $0x140, s22;
	v8 =	vmul.f32 v11, v10;
	v4 =	vld [tilespmem:s20+$0x75C0]  }
0x6b: {  	v9 =	vld [tilespmem:s21+$0x2750]  }
0x6c: {  	v10 =	vld [tilespmem:s21+$0xC450];
	v2 =	vadd.f32 v7, v2  }
0x6d: {  	v52 =	vld [tilespmem:s21+$0x2710];
	v0 =	vmul.f32 v5, v0;
	v3 =	vadd.f32 v6, v3  }
0x6e: {  	v11 =	vld [tilespmem:s21+$0x75D0];
	[tilespmem:s20+$0x11290] =	vst v2;
	v1 =	vadd.f32 v8, v1  }
0x6f: {  	v2 =	vld [tilespmem:s21+$0x2720];
	[tilespmem:s20+$0x112A0] =	vst v3;
	v0 =	vadd.f32 v0, v4  }
0x70: {  	v3 =	vld [tilespmem:s21+$0x2730];
	[tilespmem:s20+$0x112B0] =	vst v1  }
0x71: {  	v1 =	vld [tilespmem:s21+$0x2740];
	[tilespmem:s20+$0x112C0] =	vst v0  }
0x72: {  	v55 =	vld [tilespmem:s21+$0xC410]  }
0x73: {  	v56 =	vld [tilespmem:s21+$0xC420]  }
0x74: {  	v57 =	vld [tilespmem:s21+$0xC430]  }
0x75: {  	v58 =	vld [tilespmem:s21+$0xC440]  }
0x76: {  	v53 =	vmax.f32 v9, $0.0e+00;
	v59 =	vld [tilespmem:s21+$0x7590]  }
0x77: {  	v54 =	vmul.f32 v53, v10;
	v60 =	vld [tilespmem:s21+$0x75A0]  }
0x78: {  	v7 =	vmax.f32 v52, $0.0e+00;
	v61 =	vld [tilespmem:s21+$0x75B0]  }
0x79: {  	v62 =	vld [tilespmem:s21+$0x75C0];
	v0 =	vadd.f32 v54, v11;
	v2 =	vmax.f32 v2, $0.0e+00;
	v4 =	vmul.f32 v7, v55  }
0x7a: {  	v3 =	vmax.f32 v3, $0.0e+00;
	v2 =	vmul.f32 v2, v56  }
0x7b: {  	[tilespmem:s21+$0x112D0] =	vst v0;
	v1 =	vmax.f32 v1, $0.0e+00;
	v3 =	vmul.f32 v3, v57;
	v0 =	vadd.f32 v4, v59  }
.Ltmp6:
0x7c: {  	v1 =	vmul.f32 v1, v58;
	v2 =	vadd.f32 v2, v60;
	(pc) =	sbr.rel .LBB2_9-.Ltmp6, $4  }
0x7d: {  	v63 =	vadd.f32 v3, v61;
	[tilespmem:s21+$0x11290] =	vst v0  }
0x7e: {  	v1 =	vadd.f32 v1, v62;
	[tilespmem:s21+$0x112A0] =	vst v2  }
0x7f: {  	[tilespmem:s21+$0x112B0] =	vst v63  }
0x80: {  	[tilespmem:s21+$0x112C0] =	vst v1  }
.LBB2_3:
0x81: {  	v0 =	vld [tilespmem:s20+$0x40]  }
0x82: {  	v1 =	vld [tilespmem:s20+$0x9D40]  }
0x83: {  	v3 =	vld [tilespmem:s20+$0x0]  }
0x84: {  	v2 =	vld [tilespmem:s20+$0x4EC0]  }
0x85: {  	v4 =	vld [tilespmem:s20+$0x10]  }
0x86: {  	v5 =	vld [tilespmem:s20+$0x20]  }
0x87: {  	v8 =	vld [tilespmem:s20+$0x30];
	v0 =	vmax.f32 v0, $0.0e+00  }
0x88: {  	v6 =	vld [tilespmem:s20+$0x9D10];
	v0 =	vmul.f32 v0, v1  }
0x89: {  	v1 =	vld [tilespmem:s20+$0x9D00]  }
0x8a: {  	v9 =	vld [tilespmem:s20+$0x9D20];
	v2 =	vadd.f32 v0, v2  }
0x8b: {  	v0 =	vld [tilespmem:s20+$0x9D30]  }
0x8c: {  	[tilespmem:s20+$0xEBC0] =	vst v2;
	v2 =	vld [tilespmem:s20+$0x4E80]  }
0x8d: {  	v7 =	vmax.f32 v3, $0.0e+00;
	v3 =	vld [tilespmem:s20+$0x4E90]  }
0x8e: {  	v4 =	vmax.f32 v4, $0.0e+00;
	v10 =	vmax.f32 v5, $0.0e+00;
	v7 =	vmul.f32 v7, v1;
	v1 =	vld [tilespmem:s20+$0x4EA0]  }
0x8f: {  	s21 =	simm.s32 $0x50;
	s22 =	simm.s32 $0x280;
	v5 =	vmax.f32 v8, $0.0e+00;
	v6 =	vmul.f32 v4, v6;
	v8 =	vmul.f32 v10, v9;
	v4 =	vld [tilespmem:s20+$0x4EB0]  }
.LBB2_4:
0x90: {  	p0 =	seq.s32 s22, $0x9B00;
	v9 =	vld [tilespmem:s21+$0x40];
	v0 =	vmul.f32 v5, v0  }
0x91: {  	v2 =	vadd.f32 v7, v2;
	v5 =	vld [tilespmem:s21+$0x9D40]  }
0x92: {  	v3 =	vadd.f32 v6, v3;
	v7 =	vld [tilespmem:s21+$0x0]  }
0x93: {  	v1 =	vadd.f32 v8, v1;
	v6 =	vld [tilespmem:s21+$0x4EC0];
	[tilespmem:s20+$0xEB80] =	vst v2  }
0x94: {  	v0 =	vadd.f32 v0, v4;
	v2 =	vld [tilespmem:s21+$0x10];
	[tilespmem:s20+$0xEB90] =	vst v3  }
0x95: {  	v3 =	vld [tilespmem:s21+$0x20];
	v4 =	vmax.f32 v9, $0.0e+00;
	[tilespmem:s20+$0xEBA0] =	vst v1  }
0x96: {  	v1 =	vld [tilespmem:s21+$0x30];
	v4 =	vmul.f32 v4, v5;
	[tilespmem:s20+$0xEBB0] =	vst v0;
	s20 =	smov.u32 s21  }
0x97: {  	v8 =	vld [tilespmem:s20+$0x9D00];
	v7 =	vmax.f32 v7, $0.0e+00  }
0x98: {  	v9 =	vld [tilespmem:s20+$0x9D10];
	v4 =	vadd.f32 v4, v6  }
0x99: {  	v6 =	vmax.f32 v2, $0.0e+00;
	v10 =	vld [tilespmem:s20+$0x9D20]  }
.Ltmp7:
0x9a: {  	v11 =	vmax.f32 v3, $0.0e+00;
	v0 =	vld [tilespmem:s20+$0x9D30];
	[tilespmem:s20+$0xEBC0] =	vst v4;
	(pc) =	sbr.rel @!p0 .LBB2_4-.Ltmp7, $4  }
0x9b: {  	v2 =	vld [tilespmem:s20+$0x4E80];
	v5 =	vmax.f32 v1, $0.0e+00  }
0x9c: {  	v7 =	vmul.f32 v7, v8;
	v3 =	vld [tilespmem:s20+$0x4E90]  }
0x9d: {  	v6 =	vmul.f32 v6, v9;
	v1 =	vld [tilespmem:s20+$0x4EA0]  }
0x9e: {  	s21 =	sshra.s32 s22, $0x2;
	s22 =	sadd.s32 $0x140, s22;
	v8 =	vmul.f32 v11, v10;
	v4 =	vld [tilespmem:s20+$0x4EB0]  }
.Ltmp8:
0x9f: {  	_ = 	snop;
	(pc) =	sbr.rel .LBB2_5-.Ltmp8, $1  }
0xa0: {  	_ =	sdelay $0x3  }
.LBB2_11:
0xa1: {  	_ =	sfence.sel $0x180000  }
0xa2: {  	[bflag:$0x0] =	sbarrier.arrive $0xFFFF  }
0xa3: {  	p0 =	sne.s32 s0, $0x0;
	_ =	strace $0x90000047  }
0xa4: {  	s0 =	sadd.s32 @!p0 $0x100000, s3;
	[bflag:$0x2] =	sbarrier.arrive $0xFFFF  }
0xa5: {  	[sflag:s0] =	ssyncadd.tile.s32 @!p0 $0x1;
	_ =	shalt  }
.Lfunc_end2:
_tile_overlayer_lowered:
.L_overlay_start_2:
0xa6: {  	(tag) =	ssettag $0x2  }
0xa7: {  	s0 =	rddreg [dreg:$0x0];
	s2 =	stileid.u32  }
0xa8: {  	s1 =	rddreg [dreg:$0x1];
	p0 =	sne.s32 s2, $0x0  }
0xa9: {  	s3 =	rddreg [dreg:$0x2];
	[bflag:$0x3] =	sbarrier.arrive $0xFFFF;
	s2 =	simm.s32 @!p0 $0x1C05  }
0xaa: {  	[timem:s3], [sflag:s2] =	dma.local @!p0 [hbm:s0], s1  }
0xab: {  	s0 =	simm.s32 @!p0 $0x5  }
0xac: {  	_ =	swait.ge @!p0 [sflag:s0], s1  }
0xad: {  	s1 =	ssub.s32 @!p0 $0x0, s1;
	[sflag:s0] =	ssyncset.done @!p0 $0x0  }
0xae: {  	[sflag:s0] =	ssyncadd.s32 @!p0 s1  }
0xaf: {  	[bflag:$0x3] =	sbarrier.arrive $0xFFFF  }
0xb0: {  	_ =	shalt  }

</sc_bundles>
